<compile_context>
chip_gen: v7x
topology: tpu7x:2x2x1
jax: 0.10.2.dev20260603
libtpu: 0.0.44.dev20260713+nightly
codegen_flags: <defaults>
</compile_context>

<pallas_src>
import functools

import jax
import jax.numpy as jnp
import numpy as np
from jax import lax
from jax.experimental import pallas as pl
from jax.experimental.pallas import tpu as pltpu
from jax.experimental.pallas import tpu_sc as plsc

_K = 16


def _proj_knn_body(xyz_ref, xyzT_ref, feat_ref, W1_ref, b1_ref, Wq_ref,
                   Wk_ref, Wv_ref, q_ref, kv_ref, idx_ref):
    b = pl.program_id(0)
    n_full = xyzT_ref.shape[2]

    f = feat_ref[0]
    x = jnp.dot(f.astype(jnp.bfloat16), W1_ref[...],
                preferred_element_type=jnp.float32)
    x = x + b1_ref[...]
    xb = x.astype(jnp.bfloat16)
    q_ref[0] = jnp.dot(xb, Wq_ref[...], preferred_element_type=jnp.float32)
    kx = jnp.dot(xb, Wk_ref[...], preferred_element_type=jnp.float32)
    vx = jnp.dot(xb, Wv_ref[...], preferred_element_type=jnp.float32)
    kb = lax.bitcast_convert_type(kx.astype(jnp.bfloat16), jnp.uint16)
    vb = lax.bitcast_convert_type(vx.astype(jnp.bfloat16), jnp.uint16)
    packed = kb.astype(jnp.uint32) | (vb.astype(jnp.uint32) << 16)
    kv_ref[0] = lax.bitcast_convert_type(packed, jnp.float32)

    xyzb = xyz_ref[0]
    xyzT = xyzT_ref[0]
    dot = lax.dot_general(xyzb, xyzT, (((1,), (0,)), ((), ())),
                          preferred_element_type=jnp.float32)
    si = jnp.sum(xyzb * xyzb, axis=1, keepdims=True)
    sj = jnp.sum(xyzT * xyzT, axis=0, keepdims=True)
    d = (-2.0 * dot) + si
    d = d + sj

    cols = []
    for _ in range(_K):
        amin = jnp.argmin(d, axis=1).astype(jnp.int32)[:, None]
        cols.append(amin)
        col = lax.broadcasted_iota(jnp.int32, d.shape, 1)
        d = jnp.where(col == amin, jnp.float32(np.inf), d)
    idxblk = jnp.concatenate(cols, axis=1)
    idx_ref[0] = idxblk + b * n_full


def _proj_knn(xyz, xyzT, features, W1, b1, Wq, Wk, Wv):
    B, N, D = features.shape
    P1 = 256
    full = lambda shape: pl.BlockSpec(shape, lambda b, i: (0, 0))
    return pl.pallas_call(
        _proj_knn_body,
        grid=(B, N // P1),
        in_specs=[
            pl.BlockSpec((1, P1, 3), lambda b, i: (b, i, 0)),
            pl.BlockSpec((1, 3, N), lambda b, i: (b, 0, 0)),
            pl.BlockSpec((1, P1, D), lambda b, i: (b, i, 0)),
            full((D, D)),
            full((1, D)),
            full((D, D)),
            full((D, D)),
            full((D, D)),
        ],
        out_specs=[
            pl.BlockSpec((1, P1, D), lambda b, i: (b, i, 0)),
            pl.BlockSpec((1, P1, D), lambda b, i: (b, i, 0)),
            pl.BlockSpec((1, P1, _K), lambda b, i: (b, i, 0)),
        ],
        out_shape=[
            jax.ShapeDtypeStruct((B, N, D), jnp.float32),
            jax.ShapeDtypeStruct((B, N, D), jnp.float32),
            jax.ShapeDtypeStruct((B, N, _K), jnp.int32),
        ],
    )(xyz, xyzT, features, W1, b1, Wq, Wk, Wv)


def _sc_gather(table_kv, table_x, flat_idx):
    TOT = flat_idx.shape[0]
    w_kv = table_kv.shape[1]
    w_x = table_x.shape[1]
    info = plsc.get_sparse_core_info()
    NC, NS = info.num_cores, info.num_subcores
    NW = NC * NS
    per_w = TOT // NW
    CH = 128
    n_ch = per_w // CH
    mesh = plsc.VectorSubcoreMesh(core_axis_name="c", subcore_axis_name="s")

    @functools.partial(
        pl.kernel,
        mesh=mesh,
        out_type=[
            jax.ShapeDtypeStruct((TOT, w_kv), jnp.float32),
            jax.ShapeDtypeStruct((TOT, w_x), jnp.float32),
        ],
        scratch_types=[
            pltpu.VMEM((CH,), jnp.int32),
            pltpu.VMEM((CH,), jnp.int32),
            pltpu.VMEM((CH, w_kv), jnp.float32),
            pltpu.VMEM((CH, w_x), jnp.float32),
            pltpu.VMEM((CH, w_kv), jnp.float32),
            pltpu.VMEM((CH, w_x), jnp.float32),
            pltpu.SemaphoreType.DMA,
            pltpu.SemaphoreType.DMA,
            pltpu.SemaphoreType.DMA,
            pltpu.SemaphoreType.DMA,
        ],
    )
    def gath(kv_hbm, x_hbm, idx_hbm, okv_hbm, ox_hbm, idx_a, idx_b, rkv_a,
             rx_a, rkv_b, rx_b, sem1a, sem2a, sem1b, sem2b):
        wid = lax.axis_index("s") * NC + lax.axis_index("c")
        base = wid * per_w

        def body(j, carry):
            offa = base + (2 * j) * CH
            offb = offa + CH
            pltpu.sync_copy(idx_hbm.at[pl.ds(offa, CH)], idx_a)
            c1a = pltpu.async_copy(kv_hbm.at[idx_a], rkv_a, sem1a)
            c2a = pltpu.async_copy(x_hbm.at[idx_a], rx_a, sem2a)
            pltpu.sync_copy(idx_hbm.at[pl.ds(offb, CH)], idx_b)
            c1b = pltpu.async_copy(kv_hbm.at[idx_b], rkv_b, sem1b)
            c2b = pltpu.async_copy(x_hbm.at[idx_b], rx_b, sem2b)
            c1a.wait()
            c2a.wait()
            pltpu.sync_copy(rkv_a, okv_hbm.at[pl.ds(offa, CH)])
            pltpu.sync_copy(rx_a, ox_hbm.at[pl.ds(offa, CH)])
            c1b.wait()
            c2b.wait()
            pltpu.sync_copy(rkv_b, okv_hbm.at[pl.ds(offb, CH)])
            pltpu.sync_copy(rx_b, ox_hbm.at[pl.ds(offb, CH)])
            return carry

        lax.fori_loop(0, n_ch // 2, body, 0)

    return gath(table_kv, table_x, flat_idx)


def _attn_body(q_ref, feat_ref, xyzp_ref, gkv_ref, gx_ref, Wd1_ref, bd1_ref,
               Wd2_ref, bd2_ref, Wg1_ref, bg1_ref, Wg2_ref, bg2_ref, W2_ref,
               b2_ref, nfi_ref, atti_ref, nf_ref, attn_ref):
    P2, K, D = gkv_ref.shape
    gkv = gkv_ref[...]
    u = lax.bitcast_convert_type(gkv, jnp.int32)
    gk = lax.bitcast_convert_type(u << 16, jnp.float32).reshape(P2 * K, D)
    gv = lax.bitcast_convert_type(u & jnp.int32(-65536), jnp.float32)
    gx = gx_ref[:, :, :16]

    xyzp = xyzp_ref[...]
    delta = (xyzp[:, None, :] - gx).reshape(P2 * K, 16)
    h1 = jnp.dot(delta.astype(jnp.bfloat16), Wd1_ref[...],
                 preferred_element_type=jnp.float32)
    h1 = jnp.maximum(h1 + bd1_ref[...], 0.0)
    pos = jnp.dot(h1.astype(jnp.bfloat16), Wd2_ref[...],
                  preferred_element_type=jnp.float32)
    pos = pos + bd2_ref[...]

    q = q_ref[...]
    qb = jnp.broadcast_to(q[:, None, :], (P2, K, D)).reshape(P2 * K, D)
    pre = qb - gk + pos
    h2 = jnp.dot(pre.astype(jnp.bfloat16), Wg1_ref[...],
                 preferred_element_type=jnp.float32)
    h2 = jnp.maximum(h2 + bg1_ref[...], 0.0)
    logits = jnp.dot(h2.astype(jnp.bfloat16), Wg2_ref[...],
                     preferred_element_type=jnp.float32)
    logits = (logits + bg2_ref[...]) * (1.0 / 16.0)

    l3 = logits.reshape(P2, K, D)
    m = jnp.max(l3, axis=1, keepdims=True)
    e = jnp.exp(l3 - m)
    s = jnp.sum(e, axis=1, keepdims=True)
    attn = e / s
    attn_ref[...] = attn

    wsum = jnp.sum(attn * (gv + pos.reshape(P2, K, D)), axis=1)
    nf = jnp.dot(wsum.astype(jnp.bfloat16), W2_ref[...],
                 preferred_element_type=jnp.float32)
    nf_ref[...] = nf + b2_ref[...] + feat_ref[...]


def _attn(q, feat, xyzp, gkv, gx, Wd1p, bd1, Wd2, bd2, Wg1, bg1, Wg2, bg2,
          W2, b2, nf_buf, attn_buf, blk_off):
    BN, D = q.shape
    BNF = nf_buf.shape[0]
    P2 = 256
    full = lambda shape: pl.BlockSpec(shape, lambda i: (0, 0))
    return pl.pallas_call(
        _attn_body,
        grid=(BN // P2,),
        in_specs=[
            pl.BlockSpec((P2, D), lambda i: (i, 0)),
            pl.BlockSpec((P2, D), lambda i: (i, 0)),
            pl.BlockSpec((P2, 16), lambda i: (i, 0)),
            pl.BlockSpec((P2, _K, D), lambda i: (i, 0, 0)),
            pl.BlockSpec((P2, _K, 128), lambda i: (i, 0, 0)),
            full((16, D)),
            full((1, D)),
            full((D, D)),
            full((1, D)),
            full((D, D)),
            full((1, D)),
            full((D, D)),
            full((1, D)),
            full((D, D)),
            full((1, D)),
            pl.BlockSpec(memory_space=pl.ANY),
            pl.BlockSpec(memory_space=pl.ANY),
        ],
        out_specs=[
            pl.BlockSpec((P2, D), lambda i: (i + blk_off, 0)),
            pl.BlockSpec((P2, _K, D), lambda i: (i + blk_off, 0, 0)),
        ],
        out_shape=[
            jax.ShapeDtypeStruct((BNF, D), jnp.float32),
            jax.ShapeDtypeStruct((BNF, _K, D), jnp.float32),
        ],
        input_output_aliases={15: 0, 16: 1},
    )(q, feat, xyzp, gkv, gx, Wd1p, bd1, Wd2, bd2, Wg1, bg1, Wg2, bg2, W2,
      b2, nf_buf, attn_buf)


def _half_pipeline(xyz, features, nf_buf, attn_buf, blk_off, W1, b1, Wd1p,
                   bd1, Wd2, bd2, Wg1, bg1, Wg2, bg2, W2, b2, Wq, Wk, Wv):
    B, N, _ = xyz.shape
    D = features.shape[-1]
    BN = B * N

    xyzT = jnp.swapaxes(xyz, 1, 2)
    q, kv, gidx = _proj_knn(
        xyz, xyzT, features, W1, b1, Wq, Wk, Wv)

    xyzp = jnp.concatenate(
        [xyz, jnp.zeros((B, N, 13), jnp.float32)], axis=-1)
    xyzp128 = jnp.concatenate(
        [xyzp, jnp.zeros((B, N, 112), jnp.float32)], axis=-1)
    flat_idx = gidx.reshape(BN * _K)

    gkv, gx = _sc_gather(kv.reshape(BN, D), xyzp128.reshape(BN, 128),
                         flat_idx)
    gkv = gkv.reshape(BN, _K, D)
    gx = gx.reshape(BN, _K, 128)

    return _attn(
        q.reshape(BN, D), features.reshape(BN, D), xyzp.reshape(BN, 16),
        gkv, gx, Wd1p, bd1, Wd2, bd2, Wg1, bg1, Wg2, bg2, W2, b2,
        nf_buf, attn_buf, blk_off)


def kernel(xyz, features, W1, b1, W2, b2, Wd1, bd1, Wd2, bd2, Wg1, bg1,
           Wg2, bg2, Wq, Wk, Wv):
    B, N, _ = xyz.shape
    D = features.shape[-1]

    Wd1p = jnp.concatenate(
        [Wd1, jnp.zeros((13, D), jnp.float32)], axis=0)
    bf = jnp.bfloat16
    ws = (W1.astype(bf), b1.reshape(1, D), Wd1p.astype(bf),
          bd1.reshape(1, D), Wd2.astype(bf), bd2.reshape(1, D),
          Wg1.astype(bf), bg1.reshape(1, D), Wg2.astype(bf),
          bg2.reshape(1, D), W2.astype(bf), b2.reshape(1, D),
          Wq.astype(bf), Wk.astype(bf), Wv.astype(bf))

    h = B // 2
    BN = B * N
    P2 = 256
    nf_buf = jnp.zeros((BN, D), jnp.float32)
    attn_buf = jnp.zeros((BN, _K, D), jnp.float32)
    for hi, s in enumerate((slice(0, h), slice(h, B))):
        nf_buf, attn_buf = _half_pipeline(
            xyz[s], features[s], nf_buf, attn_buf,
            hi * (h * N // P2), *ws)
    return (nf_buf.reshape(B, N, D), attn_buf.reshape(B, N, _K, D))

# --- scband reference (transcript-rebuilt; emitter-appended) ---
"""Pipeline reference for scband-pt-pwa-27436251087198 (READ-ONLY COPY).

The authoritative reference and input builder live on the scoring server;
editing this copy changes nothing except your own understanding.
"""

import jax, jax.numpy as jnp
import numpy as np

B, N, K = 4, 2048, 16
D_POINTS, D_MODEL = 256, 256


def _lin(k, i, o):
    return jax.random.normal(k, (i, o), jnp.float32) * (1.0 / np.sqrt(i))


def setup_inputs(seed: int = 0) -> dict:
    key = jax.random.key(seed)
    ks = jax.random.split(key, 12)
    return {
        "xyz": jax.random.normal(ks[0], (B, N, 3), jnp.float32),
        "features": jax.random.normal(ks[1], (B, N, D_POINTS), jnp.float32),
        "W1": _lin(ks[2], D_POINTS, D_MODEL), "b1": jnp.zeros((D_MODEL,), jnp.float32),
        "W2": _lin(ks[3], D_MODEL, D_POINTS), "b2": jnp.zeros((D_POINTS,), jnp.float32),
        "Wd1": _lin(ks[4], 3, D_MODEL), "bd1": jnp.zeros((D_MODEL,), jnp.float32),
        "Wd2": _lin(ks[5], D_MODEL, D_MODEL), "bd2": jnp.zeros((D_MODEL,), jnp.float32),
        "Wg1": _lin(ks[6], D_MODEL, D_MODEL), "bg1": jnp.zeros((D_MODEL,), jnp.float32),
        "Wg2": _lin(ks[7], D_MODEL, D_MODEL), "bg2": jnp.zeros((D_MODEL,), jnp.float32),
        "Wq": _lin(ks[8], D_MODEL, D_MODEL),
        "Wk": _lin(ks[9], D_MODEL, D_MODEL),
        "Wv": _lin(ks[10], D_MODEL, D_MODEL),
    }


def _index_points(points, idx):
    # points: (B, N, C), idx: (B, N, K) -> (B, N, K, C)
    return jax.vmap(lambda p, i: p[i])(points, idx)


def _square_distance(src, dst):
    d = -2.0 * jnp.einsum('bnc,bmc->bnm', src, dst)
    d = d + jnp.sum(src ** 2, axis=-1)[:, :, None]
    d = d + jnp.sum(dst ** 2, axis=-1)[:, None, :]
    return d


def reference(xyz, features, W1, b1, W2, b2, Wd1, bd1, Wd2, bd2, Wg1, bg1, Wg2, bg2, Wq, Wk, Wv):
    dists = _square_distance(xyz, xyz)
    knn_idx = jnp.argsort(dists, axis=-1)[:, :, :K]  # (B, N, K)
    knn_xyz = _index_points(xyz, knn_idx)            # (B, N, K, 3)
    x = features @ W1 + b1                           # fc1
    q = x @ Wq                                       # (B, N, D)
    kk = _index_points(x @ Wk, knn_idx)              # (B, N, K, D)
    v = _index_points(x @ Wv, knn_idx)               # (B, N, K, D)
    delta = xyz[:, :, None, :] - knn_xyz
    pos_enc = jax.nn.relu(delta @ Wd1 + bd1) @ Wd2 + bd2
    pre = q[:, :, None, :] - kk + pos_enc
    attn = jax.nn.relu(pre @ Wg1 + bg1) @ Wg2 + bg2
    # NOTE: original torch code divides by sqrt(k.size(-1)) where `k` is the
    # gathered key tensor (shadowed variable), so the divisor is sqrt(d_model).
    attn = jax.nn.softmax(attn / np.sqrt(D_MODEL), axis=-2)
    new_features = jnp.einsum('bmnf,bmnf->bmf', attn, v + pos_enc)
    new_features = new_features @ W2 + b2 + features
    return (new_features, attn)

if __name__ == "__main__":
    import jax
    _d = setup_inputs()
    print(jax.jit(kernel)(*tuple(_d.values())))

</pallas_src>

<mosaic_0001>
#map = affine_map<(d0, d1) -> (0, 0)>
#map1 = affine_map<(d0, d1) -> (0)>
module attributes {stable_mosaic.version = 14 : i64} {
  func.func @gath(%arg0: i32, %arg1: i32, %arg2: memref<4096x256xf32, #tpu.memory_space<hbm>>, %arg3: memref<4096x128xf32, #tpu.memory_space<hbm>>, %arg4: memref<65536xi32, #tpu.memory_space<hbm>>, %arg5: memref<65536x256xf32, #tpu.memory_space<hbm>>, %arg6: memref<65536x128xf32, #tpu.memory_space<hbm>>, %arg7: memref<128xi32, #tpu.memory_space<vmem>>, %arg8: memref<128xi32, #tpu.memory_space<vmem>>, %arg9: memref<128x256xf32, #tpu.memory_space<vmem>>, %arg10: memref<128x128xf32, #tpu.memory_space<vmem>>, %arg11: memref<128x256xf32, #tpu.memory_space<vmem>>, %arg12: memref<128x128xf32, #tpu.memory_space<vmem>>, %arg13: memref<!tpu.dma_semaphore, #tpu.memory_space<semaphore_mem>>, %arg14: memref<!tpu.dma_semaphore, #tpu.memory_space<semaphore_mem>>, %arg15: memref<!tpu.dma_semaphore, #tpu.memory_space<semaphore_mem>>, %arg16: memref<!tpu.dma_semaphore, #tpu.memory_space<semaphore_mem>>) attributes {dimension_semantics = [#tpu.dimension_semantics<core_parallel>, #tpu.dimension_semantics<subcore_parallel>], iteration_bounds = array<i64: 2, 16>, scalar_prefetch = 0 : i64, scratch_operands = 10 : i64, tpu.core_type = #tpu.core_type<sc_vector_subcore>, window_params = [{transform_indices = #map}, {transform_indices = #map}, {transform_indices = #map1}, {transform_indices = #map}, {transform_indices = #map}]} {
    %mul3A = arith.constant 2 : i32
    %mul3A_0 = arith.muli %arg1, %mul3A : i32
    %add3A = arith.addi %mul3A_0, %arg0 : i32
    %mul3A_1 = arith.constant 2048 : i32
    %mul3A_2 = arith.muli %add3A, %mul3A_1 : i32
    %scan3A = arith.constant 0 : i32
    %scan3A_3 = arith.constant 0 : i32
    %scan3A_4 = arith.constant 8 : i32
    %scan3A_5 = arith.addi %scan3A_3, %scan3A_4 : i32
    %scan3A_6 = arith.constant 1 : i32
    scf.for %scan3A_8 = %scan3A_3 to %scan3A_5 step %scan3A_6  : i32 {
      %mul3A_9 = arith.constant 2 : i32
      %mul3A_10 = arith.muli %mul3A_9, %scan3A_8 : i32
      %mul3A_11 = arith.constant 128 : i32
      %mul3A_12 = arith.muli %mul3A_10, %mul3A_11 : i32
      %add3A_13 = arith.addi %mul3A_2, %mul3A_12 : i32
      %add3A_14 = arith.constant 128 : i32
      %add3A_15 = arith.addi %add3A_13, %add3A_14 : i32
      "tpu.region"() ({
        %run_scoped3A = tpu.sem_alloc : memref<!tpu.dma_semaphore, #tpu.memory_space<semaphore_mem>>
        %dma_start3A_38 = tpu.memref_slice %arg4[%add3A_13] : memref<65536xi32, #tpu.memory_space<hbm>> -> memref<128xi32, #tpu.memory_space<hbm>>
        %dma_start3A_39 = tpu.memref_slice %arg4[%add3A_13] : memref<65536xi32, #tpu.memory_space<hbm>> -> memref<128xi32, #tpu.memory_space<hbm>>
        tpu.enqueue_dma source(%dma_start3A_39 : memref<128xi32, #tpu.memory_space<hbm>>) target(%arg7 : memref<128xi32, #tpu.memory_space<vmem>>) target_semaphore(%run_scoped3A : memref<!tpu.dma_semaphore, #tpu.memory_space<semaphore_mem>>)
        %dma_wait3A_40 = tpu.memref_slice %arg4[%add3A_13] : memref<65536xi32, #tpu.memory_space<hbm>> -> memref<128xi32, #tpu.memory_space<hbm>>
        %dma_wait3A_41 = tpu.memref_slice %arg4[%add3A_13] : memref<65536xi32, #tpu.memory_space<hbm>> -> memref<128xi32, #tpu.memory_space<hbm>>
        tpu.wait_dma2 semaphore(%run_scoped3A : memref<!tpu.dma_semaphore, #tpu.memory_space<semaphore_mem>>) src(%dma_wait3A_41 : memref<128xi32, #tpu.memory_space<hbm>>) dst(%arg7 : memref<128xi32, #tpu.memory_space<vmem>>)
        tpu.yield
      }) : () -> ()
      %dma_start3A = arith.constant 0 : i32
      %dma_start3A_16 = arith.constant 0 : i32
      %dma_start3A_17 = tpu.memref_slice %arg2[%dma_start3A, %dma_start3A_16] : memref<4096x256xf32, #tpu.memory_space<hbm>> -> memref<4096x256xf32, #tpu.memory_space<hbm>>
      tpu.enqueue_indirect_dma source(%dma_start3A_17 : memref<4096x256xf32, #tpu.memory_space<hbm>>) target(%arg9 : memref<128x256xf32, #tpu.memory_space<vmem>>) offsets(%arg7 : memref<128xi32, #tpu.memory_space<vmem>>) semaphore(%arg13 : memref<!tpu.dma_semaphore, #tpu.memory_space<semaphore_mem>>)
      %dma_start3A_18 = arith.constant 0 : i32
      %dma_start3A_19 = arith.constant 0 : i32
      %dma_start3A_20 = tpu.memref_slice %arg3[%dma_start3A_18, %dma_start3A_19] : memref<4096x128xf32, #tpu.memory_space<hbm>> -> memref<4096x128xf32, #tpu.memory_space<hbm>>
      tpu.enqueue_indirect_dma source(%dma_start3A_20 : memref<4096x128xf32, #tpu.memory_space<hbm>>) target(%arg10 : memref<128x128xf32, #tpu.memory_space<vmem>>) offsets(%arg7 : memref<128xi32, #tpu.memory_space<vmem>>) semaphore(%arg14 : memref<!tpu.dma_semaphore, #tpu.memory_space<semaphore_mem>>)
      "tpu.region"() ({
        %run_scoped3A = tpu.sem_alloc : memref<!tpu.dma_semaphore, #tpu.memory_space<semaphore_mem>>
        %dma_start3A_38 = tpu.memref_slice %arg4[%add3A_15] : memref<65536xi32, #tpu.memory_space<hbm>> -> memref<128xi32, #tpu.memory_space<hbm>>
        %dma_start3A_39 = tpu.memref_slice %arg4[%add3A_15] : memref<65536xi32, #tpu.memory_space<hbm>> -> memref<128xi32, #tpu.memory_space<hbm>>
        tpu.enqueue_dma source(%dma_start3A_39 : memref<128xi32, #tpu.memory_space<hbm>>) target(%arg8 : memref<128xi32, #tpu.memory_space<vmem>>) target_semaphore(%run_scoped3A : memref<!tpu.dma_semaphore, #tpu.memory_space<semaphore_mem>>)
        %dma_wait3A_40 = tpu.memref_slice %arg4[%add3A_15] : memref<65536xi32, #tpu.memory_space<hbm>> -> memref<128xi32, #tpu.memory_space<hbm>>
        %dma_wait3A_41 = tpu.memref_slice %arg4[%add3A_15] : memref<65536xi32, #tpu.memory_space<hbm>> -> memref<128xi32, #tpu.memory_space<hbm>>
        tpu.wait_dma2 semaphore(%run_scoped3A : memref<!tpu.dma_semaphore, #tpu.memory_space<semaphore_mem>>) src(%dma_wait3A_41 : memref<128xi32, #tpu.memory_space<hbm>>) dst(%arg8 : memref<128xi32, #tpu.memory_space<vmem>>)
        tpu.yield
      }) : () -> ()
      %dma_start3A_21 = arith.constant 0 : i32
      %dma_start3A_22 = arith.constant 0 : i32
      %dma_start3A_23 = tpu.memref_slice %arg2[%dma_start3A_21, %dma_start3A_22] : memref<4096x256xf32, #tpu.memory_space<hbm>> -> memref<4096x256xf32, #tpu.memory_space<hbm>>
      tpu.enqueue_indirect_dma source(%dma_start3A_23 : memref<4096x256xf32, #tpu.memory_space<hbm>>) target(%arg11 : memref<128x256xf32, #tpu.memory_space<vmem>>) offsets(%arg8 : memref<128xi32, #tpu.memory_space<vmem>>) semaphore(%arg15 : memref<!tpu.dma_semaphore, #tpu.memory_space<semaphore_mem>>)
      %dma_start3A_24 = arith.constant 0 : i32
      %dma_start3A_25 = arith.constant 0 : i32
      %dma_start3A_26 = tpu.memref_slice %arg3[%dma_start3A_24, %dma_start3A_25] : memref<4096x128xf32, #tpu.memory_space<hbm>> -> memref<4096x128xf32, #tpu.memory_space<hbm>>
      tpu.enqueue_indirect_dma source(%dma_start3A_26 : memref<4096x128xf32, #tpu.memory_space<hbm>>) target(%arg12 : memref<128x128xf32, #tpu.memory_space<vmem>>) offsets(%arg8 : memref<128xi32, #tpu.memory_space<vmem>>) semaphore(%arg16 : memref<!tpu.dma_semaphore, #tpu.memory_space<semaphore_mem>>)
      %dma_wait3A = arith.constant 0 : i32
      %dma_wait3A_27 = arith.constant 0 : i32
      %dma_wait3A_28 = tpu.memref_slice %arg2[%dma_wait3A, %dma_wait3A_27] : memref<4096x256xf32, #tpu.memory_space<hbm>> -> memref<4096x256xf32, #tpu.memory_space<hbm>>
      tpu.wait_indirect_dma semaphore(%arg13 : memref<!tpu.dma_semaphore, #tpu.memory_space<semaphore_mem>>) src(%dma_wait3A_28 : memref<4096x256xf32, #tpu.memory_space<hbm>>) dst(%arg9 : memref<128x256xf32, #tpu.memory_space<vmem>>)
      %dma_wait3A_29 = arith.constant 0 : i32
      %dma_wait3A_30 = arith.constant 0 : i32
      %dma_wait3A_31 = tpu.memref_slice %arg3[%dma_wait3A_29, %dma_wait3A_30] : memref<4096x128xf32, #tpu.memory_space<hbm>> -> memref<4096x128xf32, #tpu.memory_space<hbm>>
      tpu.wait_indirect_dma semaphore(%arg14 : memref<!tpu.dma_semaphore, #tpu.memory_space<semaphore_mem>>) src(%dma_wait3A_31 : memref<4096x128xf32, #tpu.memory_space<hbm>>) dst(%arg10 : memref<128x128xf32, #tpu.memory_space<vmem>>)
      "tpu.region"() ({
        %run_scoped3A = tpu.sem_alloc : memref<!tpu.dma_semaphore, #tpu.memory_space<semaphore_mem>>
        %dma_start3A_38 = arith.constant 0 : i32
        %dma_start3A_39 = tpu.memref_slice %arg5[%add3A_13, %dma_start3A_38] : memref<65536x256xf32, #tpu.memory_space<hbm>> -> memref<128x256xf32, #tpu.memory_space<hbm>>
        %dma_start3A_40 = arith.constant 0 : i32
        %dma_start3A_41 = tpu.memref_slice %arg5[%add3A_13, %dma_start3A_40] : memref<65536x256xf32, #tpu.memory_space<hbm>> -> memref<128x256xf32, #tpu.memory_space<hbm>>
        tpu.enqueue_dma source(%arg9 : memref<128x256xf32, #tpu.memory_space<vmem>>) target(%dma_start3A_41 : memref<128x256xf32, #tpu.memory_space<hbm>>) target_semaphore(%run_scoped3A : memref<!tpu.dma_semaphore, #tpu.memory_space<semaphore_mem>>)
        %dma_wait3A_42 = arith.constant 0 : i32
        %dma_wait3A_43 = tpu.memref_slice %arg5[%add3A_13, %dma_wait3A_42] : memref<65536x256xf32, #tpu.memory_space<hbm>> -> memref<128x256xf32, #tpu.memory_space<hbm>>
        %dma_wait3A_44 = arith.constant 0 : i32
        %dma_wait3A_45 = tpu.memref_slice %arg5[%add3A_13, %dma_wait3A_44] : memref<65536x256xf32, #tpu.memory_space<hbm>> -> memref<128x256xf32, #tpu.memory_space<hbm>>
        tpu.wait_dma2 semaphore(%run_scoped3A : memref<!tpu.dma_semaphore, #tpu.memory_space<semaphore_mem>>) src(%arg9 : memref<128x256xf32, #tpu.memory_space<vmem>>) dst(%dma_wait3A_45 : memref<128x256xf32, #tpu.memory_space<hbm>>)
        tpu.yield
      }) : () -> ()
      "tpu.region"() ({
        %run_scoped3A = tpu.sem_alloc : memref<!tpu.dma_semaphore, #tpu.memory_space<semaphore_mem>>
        %dma_start3A_38 = arith.constant 0 : i32
        %dma_start3A_39 = tpu.memref_slice %arg6[%add3A_13, %dma_start3A_38] : memref<65536x128xf32, #tpu.memory_space<hbm>> -> memref<128x128xf32, #tpu.memory_space<hbm>>
        %dma_start3A_40 = arith.constant 0 : i32
        %dma_start3A_41 = tpu.memref_slice %arg6[%add3A_13, %dma_start3A_40] : memref<65536x128xf32, #tpu.memory_space<hbm>> -> memref<128x128xf32, #tpu.memory_space<hbm>>
        tpu.enqueue_dma source(%arg10 : memref<128x128xf32, #tpu.memory_space<vmem>>) target(%dma_start3A_41 : memref<128x128xf32, #tpu.memory_space<hbm>>) target_semaphore(%run_scoped3A : memref<!tpu.dma_semaphore, #tpu.memory_space<semaphore_mem>>)
        %dma_wait3A_42 = arith.constant 0 : i32
        %dma_wait3A_43 = tpu.memref_slice %arg6[%add3A_13, %dma_wait3A_42] : memref<65536x128xf32, #tpu.memory_space<hbm>> -> memref<128x128xf32, #tpu.memory_space<hbm>>
        %dma_wait3A_44 = arith.constant 0 : i32
        %dma_wait3A_45 = tpu.memref_slice %arg6[%add3A_13, %dma_wait3A_44] : memref<65536x128xf32, #tpu.memory_space<hbm>> -> memref<128x128xf32, #tpu.memory_space<hbm>>
        tpu.wait_dma2 semaphore(%run_scoped3A : memref<!tpu.dma_semaphore, #tpu.memory_space<semaphore_mem>>) src(%arg10 : memref<128x128xf32, #tpu.memory_space<vmem>>) dst(%dma_wait3A_45 : memref<128x128xf32, #tpu.memory_space<hbm>>)
        tpu.yield
      }) : () -> ()
      %dma_wait3A_32 = arith.constant 0 : i32
      %dma_wait3A_33 = arith.constant 0 : i32
      %dma_wait3A_34 = tpu.memref_slice %arg2[%dma_wait3A_32, %dma_wait3A_33] : memref<4096x256xf32, #tpu.memory_space<hbm>> -> memref<4096x256xf32, #tpu.memory_space<hbm>>
      tpu.wait_indirect_dma semaphore(%arg15 : memref<!tpu.dma_semaphore, #tpu.memory_space<semaphore_mem>>) src(%dma_wait3A_34 : memref<4096x256xf32, #tpu.memory_space<hbm>>) dst(%arg11 : memref<128x256xf32, #tpu.memory_space<vmem>>)
      %dma_wait3A_35 = arith.constant 0 : i32
      %dma_wait3A_36 = arith.constant 0 : i32
      %dma_wait3A_37 = tpu.memref_slice %arg3[%dma_wait3A_35, %dma_wait3A_36] : memref<4096x128xf32, #tpu.memory_space<hbm>> -> memref<4096x128xf32, #tpu.memory_space<hbm>>
      tpu.wait_indirect_dma semaphore(%arg16 : memref<!tpu.dma_semaphore, #tpu.memory_space<semaphore_mem>>) src(%dma_wait3A_37 : memref<4096x128xf32, #tpu.memory_space<hbm>>) dst(%arg12 : memref<128x128xf32, #tpu.memory_space<vmem>>)
      "tpu.region"() ({
        %run_scoped3A = tpu.sem_alloc : memref<!tpu.dma_semaphore, #tpu.memory_space<semaphore_mem>>
        %dma_start3A_38 = arith.constant 0 : i32
        %dma_start3A_39 = tpu.memref_slice %arg5[%add3A_15, %dma_start3A_38] : memref<65536x256xf32, #tpu.memory_space<hbm>> -> memref<128x256xf32, #tpu.memory_space<hbm>>
        %dma_start3A_40 = arith.constant 0 : i32
        %dma_start3A_41 = tpu.memref_slice %arg5[%add3A_15, %dma_start3A_40] : memref<65536x256xf32, #tpu.memory_space<hbm>> -> memref<128x256xf32, #tpu.memory_space<hbm>>
        tpu.enqueue_dma source(%arg11 : memref<128x256xf32, #tpu.memory_space<vmem>>) target(%dma_start3A_41 : memref<128x256xf32, #tpu.memory_space<hbm>>) target_semaphore(%run_scoped3A : memref<!tpu.dma_semaphore, #tpu.memory_space<semaphore_mem>>)
        %dma_wait3A_42 = arith.constant 0 : i32
        %dma_wait3A_43 = tpu.memref_slice %arg5[%add3A_15, %dma_wait3A_42] : memref<65536x256xf32, #tpu.memory_space<hbm>> -> memref<128x256xf32, #tpu.memory_space<hbm>>
        %dma_wait3A_44 = arith.constant 0 : i32
        %dma_wait3A_45 = tpu.memref_slice %arg5[%add3A_15, %dma_wait3A_44] : memref<65536x256xf32, #tpu.memory_space<hbm>> -> memref<128x256xf32, #tpu.memory_space<hbm>>
        tpu.wait_dma2 semaphore(%run_scoped3A : memref<!tpu.dma_semaphore, #tpu.memory_space<semaphore_mem>>) src(%arg11 : memref<128x256xf32, #tpu.memory_space<vmem>>) dst(%dma_wait3A_45 : memref<128x256xf32, #tpu.memory_space<hbm>>)
        tpu.yield
      }) : () -> ()
      "tpu.region"() ({
        %run_scoped3A = tpu.sem_alloc : memref<!tpu.dma_semaphore, #tpu.memory_space<semaphore_mem>>
        %dma_start3A_38 = arith.constant 0 : i32
        %dma_start3A_39 = tpu.memref_slice %arg6[%add3A_15, %dma_start3A_38] : memref<65536x128xf32, #tpu.memory_space<hbm>> -> memref<128x128xf32, #tpu.memory_space<hbm>>
        %dma_start3A_40 = arith.constant 0 : i32
        %dma_start3A_41 = tpu.memref_slice %arg6[%add3A_15, %dma_start3A_40] : memref<65536x128xf32, #tpu.memory_space<hbm>> -> memref<128x128xf32, #tpu.memory_space<hbm>>
        tpu.enqueue_dma source(%arg12 : memref<128x128xf32, #tpu.memory_space<vmem>>) target(%dma_start3A_41 : memref<128x128xf32, #tpu.memory_space<hbm>>) target_semaphore(%run_scoped3A : memref<!tpu.dma_semaphore, #tpu.memory_space<semaphore_mem>>)
        %dma_wait3A_42 = arith.constant 0 : i32
        %dma_wait3A_43 = tpu.memref_slice %arg6[%add3A_15, %dma_wait3A_42] : memref<65536x128xf32, #tpu.memory_space<hbm>> -> memref<128x128xf32, #tpu.memory_space<hbm>>
        %dma_wait3A_44 = arith.constant 0 : i32
        %dma_wait3A_45 = tpu.memref_slice %arg6[%add3A_15, %dma_wait3A_44] : memref<65536x128xf32, #tpu.memory_space<hbm>> -> memref<128x128xf32, #tpu.memory_space<hbm>>
        tpu.wait_dma2 semaphore(%run_scoped3A : memref<!tpu.dma_semaphore, #tpu.memory_space<semaphore_mem>>) src(%arg12 : memref<128x128xf32, #tpu.memory_space<vmem>>) dst(%dma_wait3A_45 : memref<128x128xf32, #tpu.memory_space<hbm>>)
        tpu.yield
      }) : () -> ()
    }
    %scan3A_7 = arith.constant 8 : i32
    return
  }
}

#map = affine_map<(d0, d1) -> (0, 0)>
#map1 = affine_map<(d0, d1) -> (0)>
module attributes {stable_mosaic.version = 14 : i64} {
  func.func @gath(%arg0: i32, %arg1: i32, %arg2: memref<4096x256xf32, #tpu.memory_space<hbm>>, %arg3: memref<4096x128xf32, #tpu.memory_space<hbm>>, %arg4: memref<65536xi32, #tpu.memory_space<hbm>>, %arg5: memref<65536x256xf32, #tpu.memory_space<hbm>>, %arg6: memref<65536x128xf32, #tpu.memory_space<hbm>>, %arg7: memref<128xi32, #tpu.memory_space<vmem>>, %arg8: memref<128xi32, #tpu.memory_space<vmem>>, %arg9: memref<128x256xf32, #tpu.memory_space<vmem>>, %arg10: memref<128x128xf32, #tpu.memory_space<vmem>>, %arg11: memref<128x256xf32, #tpu.memory_space<vmem>>, %arg12: memref<128x128xf32, #tpu.memory_space<vmem>>, %arg13: memref<!tpu.dma_semaphore, #tpu.memory_space<semaphore_mem>>, %arg14: memref<!tpu.dma_semaphore, #tpu.memory_space<semaphore_mem>>, %arg15: memref<!tpu.dma_semaphore, #tpu.memory_space<semaphore_mem>>, %arg16: memref<!tpu.dma_semaphore, #tpu.memory_space<semaphore_mem>>) attributes {dimension_semantics = [#tpu.dimension_semantics<core_parallel>, #tpu.dimension_semantics<subcore_parallel>], iteration_bounds = array<i64: 2, 16>, scalar_prefetch = 0 : i64, scratch_operands = 10 : i64, tpu.core_type = #tpu.core_type<sc_vector_subcore>, window_params = [{transform_indices = #map}, {transform_indices = #map}, {transform_indices = #map1}, {transform_indices = #map}, {transform_indices = #map}]} {
    %mul3A = arith.constant 2 : i32
    %mul3A_0 = arith.muli %arg1, %mul3A : i32
    %add3A = arith.addi %mul3A_0, %arg0 : i32
    %mul3A_1 = arith.constant 2048 : i32
    %mul3A_2 = arith.muli %add3A, %mul3A_1 : i32
    %scan3A = arith.constant 0 : i32
    %scan3A_3 = arith.constant 0 : i32
    %scan3A_4 = arith.constant 8 : i32
    %scan3A_5 = arith.addi %scan3A_3, %scan3A_4 : i32
    %scan3A_6 = arith.constant 1 : i32
    scf.for %scan3A_8 = %scan3A_3 to %scan3A_5 step %scan3A_6  : i32 {
      %mul3A_9 = arith.constant 2 : i32
      %mul3A_10 = arith.muli %mul3A_9, %scan3A_8 : i32
      %mul3A_11 = arith.constant 128 : i32
      %mul3A_12 = arith.muli %mul3A_10, %mul3A_11 : i32
      %add3A_13 = arith.addi %mul3A_2, %mul3A_12 : i32
      %add3A_14 = arith.constant 128 : i32
      %add3A_15 = arith.addi %add3A_13, %add3A_14 : i32
      "tpu.region"() ({
        %run_scoped3A = tpu.sem_alloc : memref<!tpu.dma_semaphore, #tpu.memory_space<semaphore_mem>>
        %dma_start3A_38 = tpu.memref_slice %arg4[%add3A_13] : memref<65536xi32, #tpu.memory_space<hbm>> -> memref<128xi32, #tpu.memory_space<hbm>>
        %dma_start3A_39 = tpu.memref_slice %arg4[%add3A_13] : memref<65536xi32, #tpu.memory_space<hbm>> -> memref<128xi32, #tpu.memory_space<hbm>>
        tpu.enqueue_dma source(%dma_start3A_39 : memref<128xi32, #tpu.memory_space<hbm>>) target(%arg7 : memref<128xi32, #tpu.memory_space<vmem>>) target_semaphore(%run_scoped3A : memref<!tpu.dma_semaphore, #tpu.memory_space<semaphore_mem>>)
        %dma_wait3A_40 = tpu.memref_slice %arg4[%add3A_13] : memref<65536xi32, #tpu.memory_space<hbm>> -> memref<128xi32, #tpu.memory_space<hbm>>
        %dma_wait3A_41 = tpu.memref_slice %arg4[%add3A_13] : memref<65536xi32, #tpu.memory_space<hbm>> -> memref<128xi32, #tpu.memory_space<hbm>>
        tpu.wait_dma2 semaphore(%run_scoped3A : memref<!tpu.dma_semaphore, #tpu.memory_space<semaphore_mem>>) src(%dma_wait3A_41 : memref<128xi32, #tpu.memory_space<hbm>>) dst(%arg7 : memref<128xi32, #tpu.memory_space<vmem>>)
        tpu.yield
      }) : () -> ()
      %dma_start3A = arith.constant 0 : i32
      %dma_start3A_16 = arith.constant 0 : i32
      %dma_start3A_17 = tpu.memref_slice %arg2[%dma_start3A, %dma_start3A_16] : memref<4096x256xf32, #tpu.memory_space<hbm>> -> memref<4096x256xf32, #tpu.memory_space<hbm>>
      tpu.enqueue_indirect_dma source(%dma_start3A_17 : memref<4096x256xf32, #tpu.memory_space<hbm>>) target(%arg9 : memref<128x256xf32, #tpu.memory_space<vmem>>) offsets(%arg7 : memref<128xi32, #tpu.memory_space<vmem>>) semaphore(%arg13 : memref<!tpu.dma_semaphore, #tpu.memory_space<semaphore_mem>>)
      %dma_start3A_18 = arith.constant 0 : i32
      %dma_start3A_19 = arith.constant 0 : i32
      %dma_start3A_20 = tpu.memref_slice %arg3[%dma_start3A_18, %dma_start3A_19] : memref<4096x128xf32, #tpu.memory_space<hbm>> -> memref<4096x128xf32, #tpu.memory_space<hbm>>
      tpu.enqueue_indirect_dma source(%dma_start3A_20 : memref<4096x128xf32, #tpu.memory_space<hbm>>) target(%arg10 : memref<128x128xf32, #tpu.memory_space<vmem>>) offsets(%arg7 : memref<128xi32, #tpu.memory_space<vmem>>) semaphore(%arg14 : memref<!tpu.dma_semaphore, #tpu.memory_space<semaphore_mem>>)
      "tpu.region"() ({
        %run_scoped3A = tpu.sem_alloc : memref<!tpu.dma_semaphore, #tpu.memory_space<semaphore_mem>>
        %dma_start3A_38 = tpu.memref_slice %arg4[%add3A_15] : memref<65536xi32, #tpu.memory_space<hbm>> -> memref<128xi32, #tpu.memory_space<hbm>>
        %dma_start3A_39 = tpu.memref_slice %arg4[%add3A_15] : memref<65536xi32, #tpu.memory_space<hbm>> -> memref<128xi32, #tpu.memory_space<hbm>>
        tpu.enqueue_dma source(%dma_start3A_39 : memref<128xi32, #tpu.memory_space<hbm>>) target(%arg8 : memref<128xi32, #tpu.memory_space<vmem>>) target_semaphore(%run_scoped3A : memref<!tpu.dma_semaphore, #tpu.memory_space<semaphore_mem>>)
        %dma_wait3A_40 = tpu.memref_slice %arg4[%add3A_15] : memref<65536xi32, #tpu.memory_space<hbm>> -> memref<128xi32, #tpu.memory_space<hbm>>
        %dma_wait3A_41 = tpu.memref_slice %arg4[%add3A_15] : memref<65536xi32, #tpu.memory_space<hbm>> -> memref<128xi32, #tpu.memory_space<hbm>>
        tpu.wait_dma2 semaphore(%run_scoped3A : memref<!tpu.dma_semaphore, #tpu.memory_space<semaphore_mem>>) src(%dma_wait3A_41 : memref<128xi32, #tpu.memory_space<hbm>>) dst(%arg8 : memref<128xi32, #tpu.memory_space<vmem>>)
        tpu.yield
      }) : () -> ()
      %dma_start3A_21 = arith.constant 0 : i32
      %dma_start3A_22 = arith.constant 0 : i32
      %dma_start3A_23 = tpu.memref_slice %arg2[%dma_start3A_21, %dma_start3A_22] : memref<4096x256xf32, #tpu.memory_space<hbm>> -> memref<4096x256xf32, #tpu.memory_space<hbm>>
      tpu.enqueue_indirect_dma source(%dma_start3A_23 : memref<4096x256xf32, #tpu.memory_space<hbm>>) target(%arg11 : memref<128x256xf32, #tpu.memory_space<vmem>>) offsets(%arg8 : memref<128xi32, #tpu.memory_space<vmem>>) semaphore(%arg15 : memref<!tpu.dma_semaphore, #tpu.memory_space<semaphore_mem>>)
      %dma_start3A_24 = arith.constant 0 : i32
      %dma_start3A_25 = arith.constant 0 : i32
      %dma_start3A_26 = tpu.memref_slice %arg3[%dma_start3A_24, %dma_start3A_25] : memref<4096x128xf32, #tpu.memory_space<hbm>> -> memref<4096x128xf32, #tpu.memory_space<hbm>>
      tpu.enqueue_indirect_dma source(%dma_start3A_26 : memref<4096x128xf32, #tpu.memory_space<hbm>>) target(%arg12 : memref<128x128xf32, #tpu.memory_space<vmem>>) offsets(%arg8 : memref<128xi32, #tpu.memory_space<vmem>>) semaphore(%arg16 : memref<!tpu.dma_semaphore, #tpu.memory_space<semaphore_mem>>)
      %dma_wait3A = arith.constant 0 : i32
      %dma_wait3A_27 = arith.constant 0 : i32
      %dma_wait3A_28 = tpu.memref_slice %arg2[%dma_wait3A, %dma_wait3A_27] : memref<4096x256xf32, #tpu.memory_space<hbm>> -> memref<4096x256xf32, #tpu.memory_space<hbm>>
      tpu.wait_indirect_dma semaphore(%arg13 : memref<!tpu.dma_semaphore, #tpu.memory_space<semaphore_mem>>) src(%dma_wait3A_28 : memref<4096x256xf32, #tpu.memory_space<hbm>>) dst(%arg9 : memref<128x256xf32, #tpu.memory_space<vmem>>)
      %dma_wait3A_29 = arith.constant 0 : i32
      %dma_wait3A_30 = arith.constant 0 : i32
      %dma_wait3A_31 = tpu.memref_slice %arg3[%dma_wait3A_29, %dma_wait3A_30] : memref<4096x128xf32, #tpu.memory_space<hbm>> -> memref<4096x128xf32, #tpu.memory_space<hbm>>
      tpu.wait_indirect_dma semaphore(%arg14 : memref<!tpu.dma_semaphore, #tpu.memory_space<semaphore_mem>>) src(%dma_wait3A_31 : memref<4096x128xf32, #tpu.memory_space<hbm>>) dst(%arg10 : memref<128x128xf32, #tpu.memory_space<vmem>>)
      "tpu.region"() ({
        %run_scoped3A = tpu.sem_alloc : memref<!tpu.dma_semaphore, #tpu.memory_space<semaphore_mem>>
        %dma_start3A_38 = arith.constant 0 : i32
        %dma_start3A_39 = tpu.memref_slice %arg5[%add3A_13, %dma_start3A_38] : memref<65536x256xf32, #tpu.memory_space<hbm>> -> memref<128x256xf32, #tpu.memory_space<hbm>>
        %dma_start3A_40 = arith.constant 0 : i32
        %dma_start3A_41 = tpu.memref_slice %arg5[%add3A_13, %dma_start3A_40] : memref<65536x256xf32, #tpu.memory_space<hbm>> -> memref<128x256xf32, #tpu.memory_space<hbm>>
        tpu.enqueue_dma source(%arg9 : memref<128x256xf32, #tpu.memory_space<vmem>>) target(%dma_start3A_41 : memref<128x256xf32, #tpu.memory_space<hbm>>) target_semaphore(%run_scoped3A : memref<!tpu.dma_semaphore, #tpu.memory_space<semaphore_mem>>)
        %dma_wait3A_42 = arith.constant 0 : i32
        %dma_wait3A_43 = tpu.memref_slice %arg5[%add3A_13, %dma_wait3A_42] : memref<65536x256xf32, #tpu.memory_space<hbm>> -> memref<128x256xf32, #tpu.memory_space<hbm>>
        %dma_wait3A_44 = arith.constant 0 : i32
        %dma_wait3A_45 = tpu.memref_slice %arg5[%add3A_13, %dma_wait3A_44] : memref<65536x256xf32, #tpu.memory_space<hbm>> -> memref<128x256xf32, #tpu.memory_space<hbm>>
        tpu.wait_dma2 semaphore(%run_scoped3A : memref<!tpu.dma_semaphore, #tpu.memory_space<semaphore_mem>>) src(%arg9 : memref<128x256xf32, #tpu.memory_space<vmem>>) dst(%dma_wait3A_45 : memref<128x256xf32, #tpu.memory_space<hbm>>)
        tpu.yield
      }) : () -> ()
      "tpu.region"() ({
        %run_scoped3A = tpu.sem_alloc : memref<!tpu.dma_semaphore, #tpu.memory_space<semaphore_mem>>
        %dma_start3A_38 = arith.constant 0 : i32
        %dma_start3A_39 = tpu.memref_slice %arg6[%add3A_13, %dma_start3A_38] : memref<65536x128xf32, #tpu.memory_space<hbm>> -> memref<128x128xf32, #tpu.memory_space<hbm>>
        %dma_start3A_40 = arith.constant 0 : i32
        %dma_start3A_41 = tpu.memref_slice %arg6[%add3A_13, %dma_start3A_40] : memref<65536x128xf32, #tpu.memory_space<hbm>> -> memref<128x128xf32, #tpu.memory_space<hbm>>
        tpu.enqueue_dma source(%arg10 : memref<128x128xf32, #tpu.memory_space<vmem>>) target(%dma_start3A_41 : memref<128x128xf32, #tpu.memory_space<hbm>>) target_semaphore(%run_scoped3A : memref<!tpu.dma_semaphore, #tpu.memory_space<semaphore_mem>>)
        %dma_wait3A_42 = arith.constant 0 : i32
        %dma_wait3A_43 = tpu.memref_slice %arg6[%add3A_13, %dma_wait3A_42] : memref<65536x128xf32, #tpu.memory_space<hbm>> -> memref<128x128xf32, #tpu.memory_space<hbm>>
        %dma_wait3A_44 = arith.constant 0 : i32
        %dma_wait3A_45 = tpu.memref_slice %arg6[%add3A_13, %dma_wait3A_44] : memref<65536x128xf32, #tpu.memory_space<hbm>> -> memref<128x128xf32, #tpu.memory_space<hbm>>
        tpu.wait_dma2 semaphore(%run_scoped3A : memref<!tpu.dma_semaphore, #tpu.memory_space<semaphore_mem>>) src(%arg10 : memref<128x128xf32, #tpu.memory_space<vmem>>) dst(%dma_wait3A_45 : memref<128x128xf32, #tpu.memory_space<hbm>>)
        tpu.yield
      }) : () -> ()
      %dma_wait3A_32 = arith.constant 0 : i32
      %dma_wait3A_33 = arith.constant 0 : i32
      %dma_wait3A_34 = tpu.memref_slice %arg2[%dma_wait3A_32, %dma_wait3A_33] : memref<4096x256xf32, #tpu.memory_space<hbm>> -> memref<4096x256xf32, #tpu.memory_space<hbm>>
      tpu.wait_indirect_dma semaphore(%arg15 : memref<!tpu.dma_semaphore, #tpu.memory_space<semaphore_mem>>) src(%dma_wait3A_34 : memref<4096x256xf32, #tpu.memory_space<hbm>>) dst(%arg11 : memref<128x256xf32, #tpu.memory_space<vmem>>)
      %dma_wait3A_35 = arith.constant 0 : i32
      %dma_wait3A_36 = arith.constant 0 : i32
      %dma_wait3A_37 = tpu.memref_slice %arg3[%dma_wait3A_35, %dma_wait3A_36] : memref<4096x128xf32, #tpu.memory_space<hbm>> -> memref<4096x128xf32, #tpu.memory_space<hbm>>
      tpu.wait_indirect_dma semaphore(%arg16 : memref<!tpu.dma_semaphore, #tpu.memory_space<semaphore_mem>>) src(%dma_wait3A_37 : memref<4096x128xf32, #tpu.memory_space<hbm>>) dst(%arg12 : memref<128x128xf32, #tpu.memory_space<vmem>>)
      "tpu.region"() ({
        %run_scoped3A = tpu.sem_alloc : memref<!tpu.dma_semaphore, #tpu.memory_space<semaphore_mem>>
        %dma_start3A_38 = arith.constant 0 : i32
        %dma_start3A_39 = tpu.memref_slice %arg5[%add3A_15, %dma_start3A_38] : memref<65536x256xf32, #tpu.memory_space<hbm>> -> memref<128x256xf32, #tpu.memory_space<hbm>>
        %dma_start3A_40 = arith.constant 0 : i32
        %dma_start3A_41 = tpu.memref_slice %arg5[%add3A_15, %dma_start3A_40] : memref<65536x256xf32, #tpu.memory_space<hbm>> -> memref<128x256xf32, #tpu.memory_space<hbm>>
        tpu.enqueue_dma source(%arg11 : memref<128x256xf32, #tpu.memory_space<vmem>>) target(%dma_start3A_41 : memref<128x256xf32, #tpu.memory_space<hbm>>) target_semaphore(%run_scoped3A : memref<!tpu.dma_semaphore, #tpu.memory_space<semaphore_mem>>)
        %dma_wait3A_42 = arith.constant 0 : i32
        %dma_wait3A_43 = tpu.memref_slice %arg5[%add3A_15, %dma_wait3A_42] : memref<65536x256xf32, #tpu.memory_space<hbm>> -> memref<128x256xf32, #tpu.memory_space<hbm>>
        %dma_wait3A_44 = arith.constant 0 : i32
        %dma_wait3A_45 = tpu.memref_slice %arg5[%add3A_15, %dma_wait3A_44] : memref<65536x256xf32, #tpu.memory_space<hbm>> -> memref<128x256xf32, #tpu.memory_space<hbm>>
        tpu.wait_dma2 semaphore(%run_scoped3A : memref<!tpu.dma_semaphore, #tpu.memory_space<semaphore_mem>>) src(%arg11 : memref<128x256xf32, #tpu.memory_space<vmem>>) dst(%dma_wait3A_45 : memref<128x256xf32, #tpu.memory_space<hbm>>)
        tpu.yield
      }) : () -> ()
      "tpu.region"() ({
        %run_scoped3A = tpu.sem_alloc : memref<!tpu.dma_semaphore, #tpu.memory_space<semaphore_mem>>
        %dma_start3A_38 = arith.constant 0 : i32
        %dma_start3A_39 = tpu.memref_slice %arg6[%add3A_15, %dma_start3A_38] : memref<65536x128xf32, #tpu.memory_space<hbm>> -> memref<128x128xf32, #tpu.memory_space<hbm>>
        %dma_start3A_40 = arith.constant 0 : i32
        %dma_start3A_41 = tpu.memref_slice %arg6[%add3A_15, %dma_start3A_40] : memref<65536x128xf32, #tpu.memory_space<hbm>> -> memref<128x128xf32, #tpu.memory_space<hbm>>
        tpu.enqueue_dma source(%arg12 : memref<128x128xf32, #tpu.memory_space<vmem>>) target(%dma_start3A_41 : memref<128x128xf32, #tpu.memory_space<hbm>>) target_semaphore(%run_scoped3A : memref<!tpu.dma_semaphore, #tpu.memory_space<semaphore_mem>>)
        %dma_wait3A_42 = arith.constant 0 : i32
        %dma_wait3A_43 = tpu.memref_slice %arg6[%add3A_15, %dma_wait3A_42] : memref<65536x128xf32, #tpu.memory_space<hbm>> -> memref<128x128xf32, #tpu.memory_space<hbm>>
        %dma_wait3A_44 = arith.constant 0 : i32
        %dma_wait3A_45 = tpu.memref_slice %arg6[%add3A_15, %dma_wait3A_44] : memref<65536x128xf32, #tpu.memory_space<hbm>> -> memref<128x128xf32, #tpu.memory_space<hbm>>
        tpu.wait_dma2 semaphore(%run_scoped3A : memref<!tpu.dma_semaphore, #tpu.memory_space<semaphore_mem>>) src(%arg12 : memref<128x128xf32, #tpu.memory_space<vmem>>) dst(%dma_wait3A_45 : memref<128x128xf32, #tpu.memory_space<hbm>>)
        tpu.yield
      }) : () -> ()
    }
    %scan3A_7 = arith.constant 8 : i32
    return
  }
}

module attributes {stable_mosaic.version = 14 : i64} {
  func.func @_proj_knn_body(%arg0: i32, %arg1: i32, %arg2: memref<1x256x3xf32, #tpu.memory_space<vmem>>, %arg3: memref<1x3x2048xf32, #tpu.memory_space<vmem>>, %arg4: memref<1x256x256xf32, #tpu.memory_space<vmem>>, %arg5: memref<256x256xbf16, #tpu.memory_space<vmem>>, %arg6: memref<1x256xf32, #tpu.memory_space<vmem>>, %arg7: memref<256x256xbf16, #tpu.memory_space<vmem>>, %arg8: memref<256x256xbf16, #tpu.memory_space<vmem>>, %arg9: memref<256x256xbf16, #tpu.memory_space<vmem>>, %arg10: memref<1x256x256xf32, #tpu.memory_space<vmem>>, %arg11: memref<1x256x256xf32, #tpu.memory_space<vmem>>, %arg12: memref<1x256x16xi32, #tpu.memory_space<vmem>>) attributes {dimension_semantics = [#tpu.dimension_semantics<arbitrary>, #tpu.dimension_semantics<arbitrary>], iteration_bounds = array<i64: 2, 8>, scalar_prefetch = 0 : i64, scratch_operands = 0 : i64, tpu.core_type = #tpu.core_type<tc>, window_params = [{transform_indices = @transform_0, window_bounds = array<i64: 1, 256, 3>}, {transform_indices = @transform_1, window_bounds = array<i64: 1, 3, 2048>}, {transform_indices = @transform_2, window_bounds = array<i64: 1, 256, 256>}, {pipeline_mode = #tpu.pipeline_mode<synchronous>, transform_indices = @transform_3, window_bounds = array<i64: 256, 256>}, {pipeline_mode = #tpu.pipeline_mode<synchronous>, transform_indices = @transform_4, window_bounds = array<i64: 1, 256>}, {pipeline_mode = #tpu.pipeline_mode<synchronous>, transform_indices = @transform_5, window_bounds = array<i64: 256, 256>}, {pipeline_mode = #tpu.pipeline_mode<synchronous>, transform_indices = @transform_6, window_bounds = array<i64: 256, 256>}, {pipeline_mode = #tpu.pipeline_mode<synchronous>, transform_indices = @transform_7, window_bounds = array<i64: 256, 256>}, {transform_indices = @transform_8, window_bounds = array<i64: 1, 256, 256>}, {transform_indices = @transform_9, window_bounds = array<i64: 1, 256, 256>}, {transform_indices = @transform_10, window_bounds = array<i64: 1, 256, 16>}]} {
    %get3A = arith.constant 0 : index
    %get3A_0 = arith.constant 0 : index
    %get3A_1 = arith.constant 0 : index
    %get3A_2 = vector.load %arg4[%get3A, %get3A_0, %get3A_1] : memref<1x256x256xf32, #tpu.memory_space<vmem>>, vector<1x256x256xf32>
    %get3A_3 = vector.shape_cast %get3A_2 : vector<1x256x256xf32> to vector<256x256xf32>
    %convert_element_type3A = arith.truncf %get3A_3 : vector<256x256xf32> to vector<256x256xbf16>
    %get3A_4 = arith.constant 0 : index
    %get3A_5 = arith.constant 0 : index
    %get3A_6 = vector.load %arg5[%get3A_4, %get3A_5] : memref<256x256xbf16, #tpu.memory_space<vmem>>, vector<256x256xbf16>
    %dot_general3A = arith.constant dense<0.000000e+00> : vector<256x256xf32>
    %dot_general3A_7 = tpu.matmul %convert_element_type3A, %get3A_6, %dot_general3A {dimension_numbers = #tpu.dot_dimension_numbers<[1], [0], [0], [1], [0, 0, 1, 1], [], []>, transpose_lhs_hint = false} : vector<256x256xbf16>, vector<256x256xbf16>, vector<256x256xf32> -> vector<256x256xf32>
    %get3A_8 = arith.constant 0 : index
    %get3A_9 = arith.constant 0 : index
    %get3A_10 = vector.load %arg6[%get3A_8, %get3A_9] : memref<1x256xf32, #tpu.memory_space<vmem>>, vector<1x256xf32>
    %add3A = vector.broadcast %get3A_10 : vector<1x256xf32> to vector<256x256xf32>
    %add3A_11 = arith.addf %dot_general3A_7, %add3A : vector<256x256xf32>
    %convert_element_type3A_12 = arith.truncf %add3A_11 : vector<256x256xf32> to vector<256x256xbf16>
    %get3A_13 = arith.constant 0 : index
    %get3A_14 = arith.constant 0 : index
    %get3A_15 = vector.load %arg7[%get3A_13, %get3A_14] : memref<256x256xbf16, #tpu.memory_space<vmem>>, vector<256x256xbf16>
    %dot_general3A_16 = arith.constant dense<0.000000e+00> : vector<256x256xf32>
    %dot_general3A_17 = tpu.matmul %convert_element_type3A_12, %get3A_15, %dot_general3A_16 {dimension_numbers = #tpu.dot_dimension_numbers<[1], [0], [0], [1], [0, 0, 1, 1], [], []>, transpose_lhs_hint = false} : vector<256x256xbf16>, vector<256x256xbf16>, vector<256x256xf32> -> vector<256x256xf32>
    %swap3A = arith.constant 0 : index
    %swap3A_18 = arith.constant 0 : index
    %swap3A_19 = arith.constant 0 : index
    %swap3A_20 = vector.load %arg10[%swap3A, %swap3A_18, %swap3A_19] : memref<1x256x256xf32, #tpu.memory_space<vmem>>, vector<1x256x256xf32>
    %swap3A_21 = vector.shape_cast %swap3A_20 : vector<1x256x256xf32> to vector<256x256xf32>
    %swap3A_22 = vector.shape_cast %dot_general3A_17 : vector<256x256xf32> to vector<1x256x256xf32>
    tpu.vector_store %arg10[%swap3A, %swap3A_18, %swap3A_19], %swap3A_22 {strides = array<i32>} : memref<1x256x256xf32, #tpu.memory_space<vmem>>, vector<1x256x256xf32>,
    %get3A_23 = arith.constant 0 : index
    %get3A_24 = arith.constant 0 : index
    %get3A_25 = vector.load %arg8[%get3A_23, %get3A_24] : memref<256x256xbf16, #tpu.memory_space<vmem>>, vector<256x256xbf16>
    %dot_general3A_26 = arith.constant dense<0.000000e+00> : vector<256x256xf32>
    %dot_general3A_27 = tpu.matmul %convert_element_type3A_12, %get3A_25, %dot_general3A_26 {dimension_numbers = #tpu.dot_dimension_numbers<[1], [0], [0], [1], [0, 0, 1, 1], [], []>, transpose_lhs_hint = false} : vector<256x256xbf16>, vector<256x256xbf16>, vector<256x256xf32> -> vector<256x256xf32>
    %get3A_28 = arith.constant 0 : index
    %get3A_29 = arith.constant 0 : index
    %get3A_30 = vector.load %arg9[%get3A_28, %get3A_29] : memref<256x256xbf16, #tpu.memory_space<vmem>>, vector<256x256xbf16>
    %dot_general3A_31 = arith.constant dense<0.000000e+00> : vector<256x256xf32>
    %dot_general3A_32 = tpu.matmul %convert_element_type3A_12, %get3A_30, %dot_general3A_31 {dimension_numbers = #tpu.dot_dimension_numbers<[1], [0], [0], [1], [0, 0, 1, 1], [], []>, transpose_lhs_hint = false} : vector<256x256xbf16>, vector<256x256xbf16>, vector<256x256xf32> -> vector<256x256xf32>
    %convert_element_type3A_33 = arith.truncf %dot_general3A_27 : vector<256x256xf32> to vector<256x256xbf16>
    %bitcast_convert_type3A = tpu.bitcast %convert_element_type3A_33 : vector<256x256xbf16> -> vector<256x256xi16>
    %convert_element_type3A_34 = arith.truncf %dot_general3A_32 : vector<256x256xf32> to vector<256x256xbf16>
    %bitcast_convert_type3A_35 = tpu.bitcast %convert_element_type3A_34 : vector<256x256xbf16> -> vector<256x256xi16>
    %convert_element_type3A_36 = arith.extui %bitcast_convert_type3A : vector<256x256xi16> to vector<256x256xi32>
    %convert_element_type3A_37 = arith.extui %bitcast_convert_type3A_35 : vector<256x256xi16> to vector<256x256xi32>
    %shift_left3A = arith.constant 16 : i32
    %shift_left3A_38 = vector.broadcast %shift_left3A : i32 to vector<256x256xi32>
    %shift_left3A_39 = arith.shli %convert_element_type3A_37, %shift_left3A_38 : vector<256x256xi32>
    %or3A = arith.ori %convert_element_type3A_36, %shift_left3A_39 : vector<256x256xi32>
    %bitcast_convert_type3A_40 = tpu.bitcast %or3A : vector<256x256xi32> -> vector<256x256xf32>
    %swap3A_41 = arith.constant 0 : index
    %swap3A_42 = arith.constant 0 : index
    %swap3A_43 = arith.constant 0 : index
    %swap3A_44 = vector.load %arg11[%swap3A_41, %swap3A_42, %swap3A_43] : memref<1x256x256xf32, #tpu.memory_space<vmem>>, vector<1x256x256xf32>
    %swap3A_45 = vector.shape_cast %swap3A_44 : vector<1x256x256xf32> to vector<256x256xf32>
    %swap3A_46 = vector.shape_cast %bitcast_convert_type3A_40 : vector<256x256xf32> to vector<1x256x256xf32>
    tpu.vector_store %arg11[%swap3A_41, %swap3A_42, %swap3A_43], %swap3A_46 {strides = array<i32>} : memref<1x256x256xf32, #tpu.memory_space<vmem>>, vector<1x256x256xf32>,
    %get3A_47 = arith.constant 0 : index
    %get3A_48 = arith.constant 0 : index
    %get3A_49 = arith.constant 0 : index
    %get3A_50 = vector.load %arg2[%get3A_47, %get3A_48, %get3A_49] : memref<1x256x3xf32, #tpu.memory_space<vmem>>, vector<1x256x3xf32>
    %get3A_51 = vector.shape_cast %get3A_50 : vector<1x256x3xf32> to vector<256x3xf32>
    %get3A_52 = arith.constant 0 : index
    %get3A_53 = arith.constant 0 : index
    %get3A_54 = arith.constant 0 : index
    %get3A_55 = vector.load %arg3[%get3A_52, %get3A_53, %get3A_54] : memref<1x3x2048xf32, #tpu.memory_space<vmem>>, vector<1x3x2048xf32>
    %get3A_56 = vector.shape_cast %get3A_55 : vector<1x3x2048xf32> to vector<3x2048xf32>
    %dot_general3A_57 = arith.constant dense<0.000000e+00> : vector<256x2048xf32>
    %dot_general3A_58 = tpu.matmul %get3A_51, %get3A_56, %dot_general3A_57 {dimension_numbers = #tpu.dot_dimension_numbers<[1], [0], [0], [1], [0, 0, 1, 1], [], []>, transpose_lhs_hint = false} : vector<256x3xf32>, vector<3x2048xf32>, vector<256x2048xf32> -> vector<256x2048xf32>
    %mul3A = arith.mulf %get3A_51, %get3A_51 : vector<256x3xf32>
    %reduce_sum3A = arith.constant dense<0.000000e+00> : vector<256xf32>
    %reduce_sum3A_59 = vector.multi_reduction <add>, %mul3A, %reduce_sum3A [1] : vector<256x3xf32> to vector<256xf32>
    %broadcast_in_dim3A = vector.shape_cast %reduce_sum3A_59 : vector<256xf32> to vector<256x1xf32>
    %mul3A_60 = arith.mulf %get3A_56, %get3A_56 : vector<3x2048xf32>
    %reduce_sum3A_61 = arith.constant dense<0.000000e+00> : vector<2048xf32>
    %reduce_sum3A_62 = vector.multi_reduction <add>, %mul3A_60, %reduce_sum3A_61 [0] : vector<3x2048xf32> to vector<2048xf32>
    %broadcast_in_dim3A_63 = vector.shape_cast %reduce_sum3A_62 : vector<2048xf32> to vector<1x2048xf32>
    %mul3A_64 = arith.constant -2.000000e+00 : f32
    %mul3A_65 = vector.broadcast %mul3A_64 : f32 to vector<256x2048xf32>
    %mul3A_66 = arith.mulf %mul3A_65, %dot_general3A_58 : vector<256x2048xf32>
    %add3A_67 = vector.broadcast %broadcast_in_dim3A : vector<256x1xf32> to vector<256x2048xf32>
    %add3A_68 = arith.addf %mul3A_66, %add3A_67 : vector<256x2048xf32>
    %add3A_69 = vector.broadcast %broadcast_in_dim3A_63 : vector<1x2048xf32> to vector<256x2048xf32>
    %add3A_70 = arith.addf %add3A_68, %add3A_69 : vector<256x2048xf32>
    %argmin3A = tpu.reduce_index %add3A_70 {axis = 1 : i32, kind = #tpu.reduction_kind<arg_min>} : vector<256x2048xf32> -> vector<256xi32>
    %broadcast_in_dim3A_71 = vector.shape_cast %argmin3A : vector<256xi32> to vector<256x1xi32>
    %iota3A = tpu.iota {dimensions = array<i32: 1>} : vector<256x2048xi32>
    %eq3A = vector.broadcast %broadcast_in_dim3A_71 : vector<256x1xi32> to vector<256x2048xi32>
    %eq3A_72 = arith.cmpi eq, %iota3A, %eq3A : vector<256x2048xi32>
    %jit3A = arith.constant 0x7F800000 : f32
    %broadcast_in_dim3A_73 = vector.broadcast %jit3A : f32 to vector<256x2048xf32>
    %select_n3A = arith.select %eq3A_72, %broadcast_in_dim3A_73, %add3A_70 : vector<256x2048xi1>, vector<256x2048xf32>
    %argmin3A_74 = tpu.reduce_index %select_n3A {axis = 1 : i32, kind = #tpu.reduction_kind<arg_min>} : vector<256x2048xf32> -> vector<256xi32>
    %broadcast_in_dim3A_75 = vector.shape_cast %argmin3A_74 : vector<256xi32> to vector<256x1xi32>
    %iota3A_76 = tpu.iota {dimensions = array<i32: 1>} : vector<256x2048xi32>
    %eq3A_77 = vector.broadcast %broadcast_in_dim3A_75 : vector<256x1xi32> to vector<256x2048xi32>
    %eq3A_78 = arith.cmpi eq, %iota3A_76, %eq3A_77 : vector<256x2048xi32>
    %jit3A_79 = arith.constant 0x7F800000 : f32
    %broadcast_in_dim3A_80 = vector.broadcast %jit3A_79 : f32 to vector<256x2048xf32>
    %select_n3A_81 = arith.select %eq3A_78, %broadcast_in_dim3A_80, %select_n3A : vector<256x2048xi1>, vector<256x2048xf32>
    %argmin3A_82 = tpu.reduce_index %select_n3A_81 {axis = 1 : i32, kind = #tpu.reduction_kind<arg_min>} : vector<256x2048xf32> -> vector<256xi32>
    %broadcast_in_dim3A_83 = vector.shape_cast %argmin3A_82 : vector<256xi32> to vector<256x1xi32>
    %iota3A_84 = tpu.iota {dimensions = array<i32: 1>} : vector<256x2048xi32>
    %eq3A_85 = vector.broadcast %broadcast_in_dim3A_83 : vector<256x1xi32> to vector<256x2048xi32>
    %eq3A_86 = arith.cmpi eq, %iota3A_84, %eq3A_85 : vector<256x2048xi32>
    %jit3A_87 = arith.constant 0x7F800000 : f32
    %broadcast_in_dim3A_88 = vector.broadcast %jit3A_87 : f32 to vector<256x2048xf32>
    %select_n3A_89 = arith.select %eq3A_86, %broadcast_in_dim3A_88, %select_n3A_81 : vector<256x2048xi1>, vector<256x2048xf32>
    %argmin3A_90 = tpu.reduce_index %select_n3A_89 {axis = 1 : i32, kind = #tpu.reduction_kind<arg_min>} : vector<256x2048xf32> -> vector<256xi32>
    %broadcast_in_dim3A_91 = vector.shape_cast %argmin3A_90 : vector<256xi32> to vector<256x1xi32>
    %iota3A_92 = tpu.iota {dimensions = array<i32: 1>} : vector<256x2048xi32>
    %eq3A_93 = vector.broadcast %broadcast_in_dim3A_91 : vector<256x1xi32> to vector<256x2048xi32>
    %eq3A_94 = arith.cmpi eq, %iota3A_92, %eq3A_93 : vector<256x2048xi32>
    %jit3A_95 = arith.constant 0x7F800000 : f32
    %broadcast_in_dim3A_96 = vector.broadcast %jit3A_95 : f32 to vector<256x2048xf32>
    %select_n3A_97 = arith.select %eq3A_94, %broadcast_in_dim3A_96, %select_n3A_89 : vector<256x2048xi1>, vector<256x2048xf32>
    %argmin3A_98 = tpu.reduce_index %select_n3A_97 {axis = 1 : i32, kind = #tpu.reduction_kind<arg_min>} : vector<256x2048xf32> -> vector<256xi32>
    %broadcast_in_dim3A_99 = vector.shape_cast %argmin3A_98 : vector<256xi32> to vector<256x1xi32>
    %iota3A_100 = tpu.iota {dimensions = array<i32: 1>} : vector<256x2048xi32>
    %eq3A_101 = vector.broadcast %broadcast_in_dim3A_99 : vector<256x1xi32> to vector<256x2048xi32>
    %eq3A_102 = arith.cmpi eq, %iota3A_100, %eq3A_101 : vector<256x2048xi32>
    %jit3A_103 = arith.constant 0x7F800000 : f32
    %broadcast_in_dim3A_104 = vector.broadcast %jit3A_103 : f32 to vector<256x2048xf32>
    %select_n3A_105 = arith.select %eq3A_102, %broadcast_in_dim3A_104, %select_n3A_97 : vector<256x2048xi1>, vector<256x2048xf32>
    %argmin3A_106 = tpu.reduce_index %select_n3A_105 {axis = 1 : i32, kind = #tpu.reduction_kind<arg_min>} : vector<256x2048xf32> -> vector<256xi32>
    %broadcast_in_dim3A_107 = vector.shape_cast %argmin3A_106 : vector<256xi32> to vector<256x1xi32>
    %iota3A_108 = tpu.iota {dimensions = array<i32: 1>} : vector<256x2048xi32>
    %eq3A_109 = vector.broadcast %broadcast_in_dim3A_107 : vector<256x1xi32> to vector<256x2048xi32>
    %eq3A_110 = arith.cmpi eq, %iota3A_108, %eq3A_109 : vector<256x2048xi32>
    %jit3A_111 = arith.constant 0x7F800000 : f32
    %broadcast_in_dim3A_112 = vector.broadcast %jit3A_111 : f32 to vector<256x2048xf32>
    %select_n3A_113 = arith.select %eq3A_110, %broadcast_in_dim3A_112, %select_n3A_105 : vector<256x2048xi1>, vector<256x2048xf32>
    %argmin3A_114 = tpu.reduce_index %select_n3A_113 {axis = 1 : i32, kind = #tpu.reduction_kind<arg_min>} : vector<256x2048xf32> -> vector<256xi32>
    %broadcast_in_dim3A_115 = vector.shape_cast %argmin3A_114 : vector<256xi32> to vector<256x1xi32>
    %iota3A_116 = tpu.iota {dimensions = array<i32: 1>} : vector<256x2048xi32>
    %eq3A_117 = vector.broadcast %broadcast_in_dim3A_115 : vector<256x1xi32> to vector<256x2048xi32>
    %eq3A_118 = arith.cmpi eq, %iota3A_116, %eq3A_117 : vector<256x2048xi32>
    %jit3A_119 = arith.constant 0x7F800000 : f32
    %broadcast_in_dim3A_120 = vector.broadcast %jit3A_119 : f32 to vector<256x2048xf32>
    %select_n3A_121 = arith.select %eq3A_118, %broadcast_in_dim3A_120, %select_n3A_113 : vector<256x2048xi1>, vector<256x2048xf32>
    %argmin3A_122 = tpu.reduce_index %select_n3A_121 {axis = 1 : i32, kind = #tpu.reduction_kind<arg_min>} : vector<256x2048xf32> -> vector<256xi32>
    %broadcast_in_dim3A_123 = vector.shape_cast %argmin3A_122 : vector<256xi32> to vector<256x1xi32>
    %iota3A_124 = tpu.iota {dimensions = array<i32: 1>} : vector<256x2048xi32>
    %eq3A_125 = vector.broadcast %broadcast_in_dim3A_123 : vector<256x1xi32> to vector<256x2048xi32>
    %eq3A_126 = arith.cmpi eq, %iota3A_124, %eq3A_125 : vector<256x2048xi32>
    %jit3A_127 = arith.constant 0x7F800000 : f32
    %broadcast_in_dim3A_128 = vector.broadcast %jit3A_127 : f32 to vector<256x2048xf32>
    %select_n3A_129 = arith.select %eq3A_126, %broadcast_in_dim3A_128, %select_n3A_121 : vector<256x2048xi1>, vector<256x2048xf32>
    %argmin3A_130 = tpu.reduce_index %select_n3A_129 {axis = 1 : i32, kind = #tpu.reduction_kind<arg_min>} : vector<256x2048xf32> -> vector<256xi32>
    %broadcast_in_dim3A_131 = vector.shape_cast %argmin3A_130 : vector<256xi32> to vector<256x1xi32>
    %iota3A_132 = tpu.iota {dimensions = array<i32: 1>} : vector<256x2048xi32>
    %eq3A_133 = vector.broadcast %broadcast_in_dim3A_131 : vector<256x1xi32> to vector<256x2048xi32>
    %eq3A_134 = arith.cmpi eq, %iota3A_132, %eq3A_133 : vector<256x2048xi32>
    %jit3A_135 = arith.constant 0x7F800000 : f32
    %broadcast_in_dim3A_136 = vector.broadcast %jit3A_135 : f32 to vector<256x2048xf32>
    %select_n3A_137 = arith.select %eq3A_134, %broadcast_in_dim3A_136, %select_n3A_129 : vector<256x2048xi1>, vector<256x2048xf32>
    %argmin3A_138 = tpu.reduce_index %select_n3A_137 {axis = 1 : i32, kind = #tpu.reduction_kind<arg_min>} : vector<256x2048xf32> -> vector<256xi32>
    %broadcast_in_dim3A_139 = vector.shape_cast %argmin3A_138 : vector<256xi32> to vector<256x1xi32>
    %iota3A_140 = tpu.iota {dimensions = array<i32: 1>} : vector<256x2048xi32>
    %eq3A_141 = vector.broadcast %broadcast_in_dim3A_139 : vector<256x1xi32> to vector<256x2048xi32>
    %eq3A_142 = arith.cmpi eq, %iota3A_140, %eq3A_141 : vector<256x2048xi32>
    %jit3A_143 = arith.constant 0x7F800000 : f32
    %broadcast_in_dim3A_144 = vector.broadcast %jit3A_143 : f32 to vector<256x2048xf32>
    %select_n3A_145 = arith.select %eq3A_142, %broadcast_in_dim3A_144, %select_n3A_137 : vector<256x2048xi1>, vector<256x2048xf32>
    %argmin3A_146 = tpu.reduce_index %select_n3A_145 {axis = 1 : i32, kind = #tpu.reduction_kind<arg_min>} : vector<256x2048xf32> -> vector<256xi32>
    %broadcast_in_dim3A_147 = vector.shape_cast %argmin3A_146 : vector<256xi32> to vector<256x1xi32>
    %iota3A_148 = tpu.iota {dimensions = array<i32: 1>} : vector<256x2048xi32>
    %eq3A_149 = vector.broadcast %broadcast_in_dim3A_147 : vector<256x1xi32> to vector<256x2048xi32>
    %eq3A_150 = arith.cmpi eq, %iota3A_148, %eq3A_149 : vector<256x2048xi32>
    %jit3A_151 = arith.constant 0x7F800000 : f32
    %broadcast_in_dim3A_152 = vector.broadcast %jit3A_151 : f32 to vector<256x2048xf32>
    %select_n3A_153 = arith.select %eq3A_150, %broadcast_in_dim3A_152, %select_n3A_145 : vector<256x2048xi1>, vector<256x2048xf32>
    %argmin3A_154 = tpu.reduce_index %select_n3A_153 {axis = 1 : i32, kind = #tpu.reduction_kind<arg_min>} : vector<256x2048xf32> -> vector<256xi32>
    %broadcast_in_dim3A_155 = vector.shape_cast %argmin3A_154 : vector<256xi32> to vector<256x1xi32>
    %iota3A_156 = tpu.iota {dimensions = array<i32: 1>} : vector<256x2048xi32>
    %eq3A_157 = vector.broadcast %broadcast_in_dim3A_155 : vector<256x1xi32> to vector<256x2048xi32>
    %eq3A_158 = arith.cmpi eq, %iota3A_156, %eq3A_157 : vector<256x2048xi32>
    %jit3A_159 = arith.constant 0x7F800000 : f32
    %broadcast_in_dim3A_160 = vector.broadcast %jit3A_159 : f32 to vector<256x2048xf32>
    %select_n3A_161 = arith.select %eq3A_158, %broadcast_in_dim3A_160, %select_n3A_153 : vector<256x2048xi1>, vector<256x2048xf32>
    %argmin3A_162 = tpu.reduce_index %select_n3A_161 {axis = 1 : i32, kind = #tpu.reduction_kind<arg_min>} : vector<256x2048xf32> -> vector<256xi32>
    %broadcast_in_dim3A_163 = vector.shape_cast %argmin3A_162 : vector<256xi32> to vector<256x1xi32>
    %iota3A_164 = tpu.iota {dimensions = array<i32: 1>} : vector<256x2048xi32>
    %eq3A_165 = vector.broadcast %broadcast_in_dim3A_163 : vector<256x1xi32> to vector<256x2048xi32>
    %eq3A_166 = arith.cmpi eq, %iota3A_164, %eq3A_165 : vector<256x2048xi32>
    %jit3A_167 = arith.constant 0x7F800000 : f32
    %broadcast_in_dim3A_168 = vector.broadcast %jit3A_167 : f32 to vector<256x2048xf32>
    %select_n3A_169 = arith.select %eq3A_166, %broadcast_in_dim3A_168, %select_n3A_161 : vector<256x2048xi1>, vector<256x2048xf32>
    %argmin3A_170 = tpu.reduce_index %select_n3A_169 {axis = 1 : i32, kind = #tpu.reduction_kind<arg_min>} : vector<256x2048xf32> -> vector<256xi32>
    %broadcast_in_dim3A_171 = vector.shape_cast %argmin3A_170 : vector<256xi32> to vector<256x1xi32>
    %iota3A_172 = tpu.iota {dimensions = array<i32: 1>} : vector<256x2048xi32>
    %eq3A_173 = vector.broadcast %broadcast_in_dim3A_171 : vector<256x1xi32> to vector<256x2048xi32>
    %eq3A_174 = arith.cmpi eq, %iota3A_172, %eq3A_173 : vector<256x2048xi32>
    %jit3A_175 = arith.constant 0x7F800000 : f32
    %broadcast_in_dim3A_176 = vector.broadcast %jit3A_175 : f32 to vector<256x2048xf32>
    %select_n3A_177 = arith.select %eq3A_174, %broadcast_in_dim3A_176, %select_n3A_169 : vector<256x2048xi1>, vector<256x2048xf32>
    %argmin3A_178 = tpu.reduce_index %select_n3A_177 {axis = 1 : i32, kind = #tpu.reduction_kind<arg_min>} : vector<256x2048xf32> -> vector<256xi32>
    %broadcast_in_dim3A_179 = vector.shape_cast %argmin3A_178 : vector<256xi32> to vector<256x1xi32>
    %iota3A_180 = tpu.iota {dimensions = array<i32: 1>} : vector<256x2048xi32>
    %eq3A_181 = vector.broadcast %broadcast_in_dim3A_179 : vector<256x1xi32> to vector<256x2048xi32>
    %eq3A_182 = arith.cmpi eq, %iota3A_180, %eq3A_181 : vector<256x2048xi32>
    %jit3A_183 = arith.constant 0x7F800000 : f32
    %broadcast_in_dim3A_184 = vector.broadcast %jit3A_183 : f32 to vector<256x2048xf32>
    %select_n3A_185 = arith.select %eq3A_182, %broadcast_in_dim3A_184, %select_n3A_177 : vector<256x2048xi1>, vector<256x2048xf32>
    %argmin3A_186 = tpu.reduce_index %select_n3A_185 {axis = 1 : i32, kind = #tpu.reduction_kind<arg_min>} : vector<256x2048xf32> -> vector<256xi32>
    %broadcast_in_dim3A_187 = vector.shape_cast %argmin3A_186 : vector<256xi32> to vector<256x1xi32>
    %concatenate3A = tpu.concatenate %broadcast_in_dim3A_71, %broadcast_in_dim3A_75, %broadcast_in_dim3A_83, %broadcast_in_dim3A_91, %broadcast_in_dim3A_99, %broadcast_in_dim3A_107, %broadcast_in_dim3A_115, %broadcast_in_dim3A_123, %broadcast_in_dim3A_131, %broadcast_in_dim3A_139, %broadcast_in_dim3A_147, %broadcast_in_dim3A_155, %broadcast_in_dim3A_163, %broadcast_in_dim3A_171, %broadcast_in_dim3A_179, %broadcast_in_dim3A_187 in 1 : vector<256x1xi32>, vector<256x1xi32>, vector<256x1xi32>, vector<256x1xi32>, vector<256x1xi32>, vector<256x1xi32>, vector<256x1xi32>, vector<256x1xi32>, vector<256x1xi32>, vector<256x1xi32>, vector<256x1xi32>, vector<256x1xi32>, vector<256x1xi32>, vector<256x1xi32>, vector<256x1xi32>, vector<256x1xi32> -> vector<256x16xi32>
    %mul3A_188 = arith.constant 2048 : i32
    %mul3A_189 = arith.muli %arg0, %mul3A_188 : i32
    %add3A_190 = vector.broadcast %mul3A_189 : i32 to vector<256x16xi32>
    %add3A_191 = arith.addi %concatenate3A, %add3A_190 : vector<256x16xi32>
    %swap3A_192 = arith.constant 0 : index
    %swap3A_193 = arith.constant 0 : index
    %swap3A_194 = arith.constant 0 : index
    %swap3A_195 = vector.load %arg12[%swap3A_192, %swap3A_193, %swap3A_194] : memref<1x256x16xi32, #tpu.memory_space<vmem>>, vector<1x256x16xi32>
    %swap3A_196 = vector.shape_cast %swap3A_195 : vector<1x256x16xi32> to vector<256x16xi32>
    %swap3A_197 = vector.shape_cast %add3A_191 : vector<256x16xi32> to vector<1x256x16xi32>
    tpu.vector_store %arg12[%swap3A_192, %swap3A_193, %swap3A_194], %swap3A_197 {strides = array<i32>} : memref<1x256x16xi32, #tpu.memory_space<vmem>>, vector<1x256x16xi32>,
    return
  }
  func.func @transform_0(%arg0: i32, %arg1: i32) -> (i32, i32, i32) {
    %c0_i32 = arith.constant 0 : i32
    %c0_i32_0 = arith.constant 0 : i32
    return %arg0, %arg1, %c0_i32 : i32, i32, i32
  }
  func.func @transform_1(%arg0: i32, %arg1: i32) -> (i32, i32, i32) {
    %c0_i32 = arith.constant 0 : i32
    %c0_i32_0 = arith.constant 0 : i32
    %c0_i32_1 = arith.constant 0 : i32
    return %arg0, %c0_i32, %c0_i32_0 : i32, i32, i32
  }
  func.func @transform_2(%arg0: i32, %arg1: i32) -> (i32, i32, i32) {
    %c0_i32 = arith.constant 0 : i32
    %c0_i32_0 = arith.constant 0 : i32
    return %arg0, %arg1, %c0_i32 : i32, i32, i32
  }
  func.func @transform_3(%arg0: i32, %arg1: i32) -> (i32, i32) {
    %c0_i32 = arith.constant 0 : i32
    %c0_i32_0 = arith.constant 0 : i32
    %c0_i32_1 = arith.constant 0 : i32
    return %c0_i32, %c0_i32_0 : i32, i32
  }
  func.func @transform_4(%arg0: i32, %arg1: i32) -> (i32, i32) {
    %c0_i32 = arith.constant 0 : i32
    %c0_i32_0 = arith.constant 0 : i32
    %c0_i32_1 = arith.constant 0 : i32
    return %c0_i32, %c0_i32_0 : i32, i32
  }
  func.func @transform_5(%arg0: i32, %arg1: i32) -> (i32, i32) {
    %c0_i32 = arith.constant 0 : i32
    %c0_i32_0 = arith.constant 0 : i32
    %c0_i32_1 = arith.constant 0 : i32
    return %c0_i32, %c0_i32_0 : i32, i32
  }
  func.func @transform_6(%arg0: i32, %arg1: i32) -> (i32, i32) {
    %c0_i32 = arith.constant 0 : i32
    %c0_i32_0 = arith.constant 0 : i32
    %c0_i32_1 = arith.constant 0 : i32
    return %c0_i32, %c0_i32_0 : i32, i32
  }
  func.func @transform_7(%arg0: i32, %arg1: i32) -> (i32, i32) {
    %c0_i32 = arith.constant 0 : i32
    %c0_i32_0 = arith.constant 0 : i32
    %c0_i32_1 = arith.constant 0 : i32
    return %c0_i32, %c0_i32_0 : i32, i32
  }
  func.func @transform_8(%arg0: i32, %arg1: i32) -> (i32, i32, i32) {
    %c0_i32 = arith.constant 0 : i32
    %c0_i32_0 = arith.constant 0 : i32
    return %arg0, %arg1, %c0_i32 : i32, i32, i32
  }
  func.func @transform_9(%arg0: i32, %arg1: i32) -> (i32, i32, i32) {
    %c0_i32 = arith.constant 0 : i32
    %c0_i32_0 = arith.constant 0 : i32
    return %arg0, %arg1, %c0_i32 : i32, i32, i32
  }
  func.func @transform_10(%arg0: i32, %arg1: i32) -> (i32, i32, i32) {
    %c0_i32 = arith.constant 0 : i32
    %c0_i32_0 = arith.constant 0 : i32
    return %arg0, %arg1, %c0_i32 : i32, i32, i32
  }
}

module attributes {stable_mosaic.version = 14 : i64} {
  func.func @_attn_body(%arg0: i32, %arg1: memref<256x256xf32, #tpu.memory_space<vmem>>, %arg2: memref<256x256xf32, #tpu.memory_space<vmem>>, %arg3: memref<256x16xf32, #tpu.memory_space<vmem>>, %arg4: memref<256x16x256xf32, #tpu.memory_space<vmem>>, %arg5: memref<256x16x128xf32, #tpu.memory_space<vmem>>, %arg6: memref<16x256xbf16, #tpu.memory_space<vmem>>, %arg7: memref<1x256xf32, #tpu.memory_space<vmem>>, %arg8: memref<256x256xbf16, #tpu.memory_space<vmem>>, %arg9: memref<1x256xf32, #tpu.memory_space<vmem>>, %arg10: memref<256x256xbf16, #tpu.memory_space<vmem>>, %arg11: memref<1x256xf32, #tpu.memory_space<vmem>>, %arg12: memref<256x256xbf16, #tpu.memory_space<vmem>>, %arg13: memref<1x256xf32, #tpu.memory_space<vmem>>, %arg14: memref<256x256xbf16, #tpu.memory_space<vmem>>, %arg15: memref<1x256xf32, #tpu.memory_space<vmem>>, %arg16: memref<8192x256xf32, #tpu.memory_space<any>>, %arg17: memref<8192x16x256xf32, #tpu.memory_space<any>>, %arg18: memref<256x256xf32, #tpu.memory_space<vmem>>, %arg19: memref<256x16x256xf32, #tpu.memory_space<vmem>>) attributes {dimension_semantics = [#tpu.dimension_semantics<arbitrary>], iteration_bounds = array<i64: 16>, scalar_prefetch = 0 : i64, scratch_operands = 0 : i64, tpu.core_type = #tpu.core_type<tc>, window_params = [{transform_indices = @transform_0, window_bounds = array<i64: 256, 256>}, {transform_indices = @transform_1, window_bounds = array<i64: 256, 256>}, {transform_indices = @transform_2, window_bounds = array<i64: 256, 16>}, {transform_indices = @transform_3, window_bounds = array<i64: 256, 16, 256>}, {transform_indices = @transform_4, window_bounds = array<i64: 256, 16, 128>}, {pipeline_mode = #tpu.pipeline_mode<synchronous>, transform_indices = @transform_5, window_bounds = array<i64: 16, 256>}, {pipeline_mode = #tpu.pipeline_mode<synchronous>, transform_indices = @transform_6, window_bounds = array<i64: 1, 256>}, {pipeline_mode = #tpu.pipeline_mode<synchronous>, transform_indices = @transform_7, window_bounds = array<i64: 256, 256>}, {pipeline_mode = #tpu.pipeline_mode<synchronous>, transform_indices = @transform_8, window_bounds = array<i64: 1, 256>}, {pipeline_mode = #tpu.pipeline_mode<synchronous>, transform_indices = @transform_9, window_bounds = array<i64: 256, 256>}, {pipeline_mode = #tpu.pipeline_mode<synchronous>, transform_indices = @transform_10, window_bounds = array<i64: 1, 256>}, {pipeline_mode = #tpu.pipeline_mode<synchronous>, transform_indices = @transform_11, window_bounds = array<i64: 256, 256>}, {pipeline_mode = #tpu.pipeline_mode<synchronous>, transform_indices = @transform_12, window_bounds = array<i64: 1, 256>}, {pipeline_mode = #tpu.pipeline_mode<synchronous>, transform_indices = @transform_13, window_bounds = array<i64: 256, 256>}, {pipeline_mode = #tpu.pipeline_mode<synchronous>, transform_indices = @transform_14, window_bounds = array<i64: 1, 256>}, {}, {}, {transform_indices = @transform_17, window_bounds = array<i64: 256, 256>}, {transform_indices = @transform_18, window_bounds = array<i64: 256, 16, 256>}]} {
    %get3A = arith.constant 0 : index
    %get3A_0 = arith.constant 0 : index
    %get3A_1 = arith.constant 0 : index
    %get3A_2 = vector.load %arg4[%get3A, %get3A_0, %get3A_1] : memref<256x16x256xf32, #tpu.memory_space<vmem>>, vector<256x16x256xf32>
    %bitcast_convert_type3A = tpu.bitcast %get3A_2 : vector<256x16x256xf32> -> vector<256x16x256xi32>
    %shift_left3A = arith.constant 16 : i32
    %shift_left3A_3 = vector.broadcast %shift_left3A : i32 to vector<256x16x256xi32>
    %shift_left3A_4 = arith.shli %bitcast_convert_type3A, %shift_left3A_3 : vector<256x16x256xi32>
    %bitcast_convert_type3A_5 = tpu.bitcast %shift_left3A_4 : vector<256x16x256xi32> -> vector<256x16x256xf32>
    %reshape3A = vector.shape_cast %bitcast_convert_type3A_5 : vector<256x16x256xf32> to vector<4096x256xf32>
    %and3A = arith.constant -65536 : i32
    %and3A_6 = vector.broadcast %and3A : i32 to vector<256x16x256xi32>
    %and3A_7 = arith.andi %bitcast_convert_type3A, %and3A_6 : vector<256x16x256xi32>
    %bitcast_convert_type3A_8 = tpu.bitcast %and3A_7 : vector<256x16x256xi32> -> vector<256x16x256xf32>
    %get3A_9 = arith.constant 0 : index
    %get3A_10 = arith.constant 0 : index
    %get3A_11 = arith.constant 0 : index
    %get3A_12 = vector.load %arg5[%get3A_9, %get3A_10, %get3A_11] : memref<256x16x128xf32, #tpu.memory_space<vmem>>, vector<256x16x16xf32>
    %get3A_13 = arith.constant 0 : index
    %get3A_14 = arith.constant 0 : index
    %get3A_15 = vector.load %arg3[%get3A_13, %get3A_14] : memref<256x16xf32, #tpu.memory_space<vmem>>, vector<256x16xf32>
    %broadcast_in_dim3A = vector.shape_cast %get3A_15 : vector<256x16xf32> to vector<256x1x16xf32>
    %sub3A = vector.broadcast %broadcast_in_dim3A : vector<256x1x16xf32> to vector<256x16x16xf32>
    %sub3A_16 = arith.subf %sub3A, %get3A_12 : vector<256x16x16xf32>
    %reshape3A_17 = vector.shape_cast %sub3A_16 : vector<256x16x16xf32> to vector<4096x16xf32>
    %convert_element_type3A = arith.truncf %reshape3A_17 : vector<4096x16xf32> to vector<4096x16xbf16>
    %get3A_18 = arith.constant 0 : index
    %get3A_19 = arith.constant 0 : index
    %get3A_20 = vector.load %arg6[%get3A_18, %get3A_19] : memref<16x256xbf16, #tpu.memory_space<vmem>>, vector<16x256xbf16>
    %dot_general3A = arith.constant dense<0.000000e+00> : vector<4096x256xf32>
    %dot_general3A_21 = tpu.matmul %convert_element_type3A, %get3A_20, %dot_general3A {dimension_numbers = #tpu.dot_dimension_numbers<[1], [0], [0], [1], [0, 0, 1, 1], [], []>, transpose_lhs_hint = false} : vector<4096x16xbf16>, vector<16x256xbf16>, vector<4096x256xf32> -> vector<4096x256xf32>
    %get3A_22 = arith.constant 0 : index
    %get3A_23 = arith.constant 0 : index
    %get3A_24 = vector.load %arg7[%get3A_22, %get3A_23] : memref<1x256xf32, #tpu.memory_space<vmem>>, vector<1x256xf32>
    %add3A = vector.broadcast %get3A_24 : vector<1x256xf32> to vector<4096x256xf32>
    %add3A_25 = arith.addf %dot_general3A_21, %add3A : vector<4096x256xf32>
    %max3A = arith.constant 0.000000e+00 : f32
    %max3A_26 = vector.broadcast %max3A : f32 to vector<4096x256xf32>
    %max3A_27 = arith.maximumf %add3A_25, %max3A_26 : vector<4096x256xf32>
    %convert_element_type3A_28 = arith.truncf %max3A_27 : vector<4096x256xf32> to vector<4096x256xbf16>
    %get3A_29 = arith.constant 0 : index
    %get3A_30 = arith.constant 0 : index
    %get3A_31 = vector.load %arg8[%get3A_29, %get3A_30] : memref<256x256xbf16, #tpu.memory_space<vmem>>, vector<256x256xbf16>
    %dot_general3A_32 = arith.constant dense<0.000000e+00> : vector<4096x256xf32>
    %dot_general3A_33 = tpu.matmul %convert_element_type3A_28, %get3A_31, %dot_general3A_32 {dimension_numbers = #tpu.dot_dimension_numbers<[1], [0], [0], [1], [0, 0, 1, 1], [], []>, transpose_lhs_hint = false} : vector<4096x256xbf16>, vector<256x256xbf16>, vector<4096x256xf32> -> vector<4096x256xf32>
    %get3A_34 = arith.constant 0 : index
    %get3A_35 = arith.constant 0 : index
    %get3A_36 = vector.load %arg9[%get3A_34, %get3A_35] : memref<1x256xf32, #tpu.memory_space<vmem>>, vector<1x256xf32>
    %add3A_37 = vector.broadcast %get3A_36 : vector<1x256xf32> to vector<4096x256xf32>
    %add3A_38 = arith.addf %dot_general3A_33, %add3A_37 : vector<4096x256xf32>
    %get3A_39 = arith.constant 0 : index
    %get3A_40 = arith.constant 0 : index
    %get3A_41 = vector.load %arg1[%get3A_39, %get3A_40] : memref<256x256xf32, #tpu.memory_space<vmem>>, vector<256x256xf32>
    %broadcast_in_dim3A_42 = vector.shape_cast %get3A_41 : vector<256x256xf32> to vector<256x1x256xf32>
    %broadcast_in_dim3A_43 = vector.shape_cast %broadcast_in_dim3A_42 : vector<256x1x256xf32> to vector<256x1x256xf32>
    %broadcast_in_dim3A_44 = vector.broadcast %broadcast_in_dim3A_43 : vector<256x1x256xf32> to vector<256x16x256xf32>
    %reshape3A_45 = vector.shape_cast %broadcast_in_dim3A_44 : vector<256x16x256xf32> to vector<4096x256xf32>
    %sub3A_46 = arith.subf %reshape3A_45, %reshape3A : vector<4096x256xf32>
    %add3A_47 = arith.addf %sub3A_46, %add3A_38 : vector<4096x256xf32>
    %convert_element_type3A_48 = arith.truncf %add3A_47 : vector<4096x256xf32> to vector<4096x256xbf16>
    %get3A_49 = arith.constant 0 : index
    %get3A_50 = arith.constant 0 : index
    %get3A_51 = vector.load %arg10[%get3A_49, %get3A_50] : memref<256x256xbf16, #tpu.memory_space<vmem>>, vector<256x256xbf16>
    %dot_general3A_52 = arith.constant dense<0.000000e+00> : vector<4096x256xf32>
    %dot_general3A_53 = tpu.matmul %convert_element_type3A_48, %get3A_51, %dot_general3A_52 {dimension_numbers = #tpu.dot_dimension_numbers<[1], [0], [0], [1], [0, 0, 1, 1], [], []>, transpose_lhs_hint = false} : vector<4096x256xbf16>, vector<256x256xbf16>, vector<4096x256xf32> -> vector<4096x256xf32>
    %get3A_54 = arith.constant 0 : index
    %get3A_55 = arith.constant 0 : index
    %get3A_56 = vector.load %arg11[%get3A_54, %get3A_55] : memref<1x256xf32, #tpu.memory_space<vmem>>, vector<1x256xf32>
    %add3A_57 = vector.broadcast %get3A_56 : vector<1x256xf32> to vector<4096x256xf32>
    %add3A_58 = arith.addf %dot_general3A_53, %add3A_57 : vector<4096x256xf32>
    %max3A_59 = arith.constant 0.000000e+00 : f32
    %max3A_60 = vector.broadcast %max3A_59 : f32 to vector<4096x256xf32>
    %max3A_61 = arith.maximumf %add3A_58, %max3A_60 : vector<4096x256xf32>
    %convert_element_type3A_62 = arith.truncf %max3A_61 : vector<4096x256xf32> to vector<4096x256xbf16>
    %get3A_63 = arith.constant 0 : index
    %get3A_64 = arith.constant 0 : index
    %get3A_65 = vector.load %arg12[%get3A_63, %get3A_64] : memref<256x256xbf16, #tpu.memory_space<vmem>>, vector<256x256xbf16>
    %dot_general3A_66 = arith.constant dense<0.000000e+00> : vector<4096x256xf32>
    %dot_general3A_67 = tpu.matmul %convert_element_type3A_62, %get3A_65, %dot_general3A_66 {dimension_numbers = #tpu.dot_dimension_numbers<[1], [0], [0], [1], [0, 0, 1, 1], [], []>, transpose_lhs_hint = false} : vector<4096x256xbf16>, vector<256x256xbf16>, vector<4096x256xf32> -> vector<4096x256xf32>
    %get3A_68 = arith.constant 0 : index
    %get3A_69 = arith.constant 0 : index
    %get3A_70 = vector.load %arg13[%get3A_68, %get3A_69] : memref<1x256xf32, #tpu.memory_space<vmem>>, vector<1x256xf32>
    %add3A_71 = vector.broadcast %get3A_70 : vector<1x256xf32> to vector<4096x256xf32>
    %add3A_72 = arith.addf %dot_general3A_67, %add3A_71 : vector<4096x256xf32>
    %mul3A = arith.constant 6.250000e-02 : f32
    %mul3A_73 = vector.broadcast %mul3A : f32 to vector<4096x256xf32>
    %mul3A_74 = arith.mulf %add3A_72, %mul3A_73 : vector<4096x256xf32>
    %reshape3A_75 = vector.shape_cast %mul3A_74 : vector<4096x256xf32> to vector<256x16x256xf32>
    %reduce_max3A = arith.constant dense<0xFF800000> : vector<256x256xf32>
    %reduce_max3A_76 = vector.multi_reduction <maximumf>, %reshape3A_75, %reduce_max3A [1] : vector<256x16x256xf32> to vector<256x256xf32>
    %broadcast_in_dim3A_77 = vector.shape_cast %reduce_max3A_76 : vector<256x256xf32> to vector<256x1x256xf32>
    %sub3A_78 = vector.broadcast %broadcast_in_dim3A_77 : vector<256x1x256xf32> to vector<256x16x256xf32>
    %sub3A_79 = arith.subf %reshape3A_75, %sub3A_78 : vector<256x16x256xf32>
    %exp3A = math.exp %sub3A_79 : vector<256x16x256xf32>
    %reduce_sum3A = arith.constant dense<0.000000e+00> : vector<256x256xf32>
    %reduce_sum3A_80 = vector.multi_reduction <add>, %exp3A, %reduce_sum3A [1] : vector<256x16x256xf32> to vector<256x256xf32>
    %broadcast_in_dim3A_81 = vector.shape_cast %reduce_sum3A_80 : vector<256x256xf32> to vector<256x1x256xf32>
    %div3A = vector.broadcast %broadcast_in_dim3A_81 : vector<256x1x256xf32> to vector<256x16x256xf32>
    %div3A_82 = arith.divf %exp3A, %div3A : vector<256x16x256xf32>
    %swap3A = arith.constant 0 : index
    %swap3A_83 = arith.constant 0 : index
    %swap3A_84 = arith.constant 0 : index
    %swap3A_85 = vector.load %arg19[%swap3A, %swap3A_83, %swap3A_84] : memref<256x16x256xf32, #tpu.memory_space<vmem>>, vector<256x16x256xf32>
    tpu.vector_store %arg19[%swap3A, %swap3A_83, %swap3A_84], %div3A_82 {strides = array<i32>} : memref<256x16x256xf32, #tpu.memory_space<vmem>>, vector<256x16x256xf32>,
    %reshape3A_86 = vector.shape_cast %add3A_38 : vector<4096x256xf32> to vector<256x16x256xf32>
    %add3A_87 = arith.addf %bitcast_convert_type3A_8, %reshape3A_86 : vector<256x16x256xf32>
    %mul3A_88 = arith.mulf %div3A_82, %add3A_87 : vector<256x16x256xf32>
    %reduce_sum3A_89 = arith.constant dense<0.000000e+00> : vector<256x256xf32>
    %reduce_sum3A_90 = vector.multi_reduction <add>, %mul3A_88, %reduce_sum3A_89 [1] : vector<256x16x256xf32> to vector<256x256xf32>
    %convert_element_type3A_91 = arith.truncf %reduce_sum3A_90 : vector<256x256xf32> to vector<256x256xbf16>
    %get3A_92 = arith.constant 0 : index
    %get3A_93 = arith.constant 0 : index
    %get3A_94 = vector.load %arg14[%get3A_92, %get3A_93] : memref<256x256xbf16, #tpu.memory_space<vmem>>, vector<256x256xbf16>
    %dot_general3A_95 = arith.constant dense<0.000000e+00> : vector<256x256xf32>
    %dot_general3A_96 = tpu.matmul %convert_element_type3A_91, %get3A_94, %dot_general3A_95 {dimension_numbers = #tpu.dot_dimension_numbers<[1], [0], [0], [1], [0, 0, 1, 1], [], []>, transpose_lhs_hint = false} : vector<256x256xbf16>, vector<256x256xbf16>, vector<256x256xf32> -> vector<256x256xf32>
    %get3A_97 = arith.constant 0 : index
    %get3A_98 = arith.constant 0 : index
    %get3A_99 = vector.load %arg15[%get3A_97, %get3A_98] : memref<1x256xf32, #tpu.memory_space<vmem>>, vector<1x256xf32>
    %add3A_100 = vector.broadcast %get3A_99 : vector<1x256xf32> to vector<256x256xf32>
    %add3A_101 = arith.addf %dot_general3A_96, %add3A_100 : vector<256x256xf32>
    %get3A_102 = arith.constant 0 : index
    %get3A_103 = arith.constant 0 : index
    %get3A_104 = vector.load %arg2[%get3A_102, %get3A_103] : memref<256x256xf32, #tpu.memory_space<vmem>>, vector<256x256xf32>
    %add3A_105 = arith.addf %add3A_101, %get3A_104 : vector<256x256xf32>
    %swap3A_106 = arith.constant 0 : index
    %swap3A_107 = arith.constant 0 : index
    %swap3A_108 = vector.load %arg18[%swap3A_106, %swap3A_107] : memref<256x256xf32, #tpu.memory_space<vmem>>, vector<256x256xf32>
    tpu.vector_store %arg18[%swap3A_106, %swap3A_107], %add3A_105 {strides = array<i32>} : memref<256x256xf32, #tpu.memory_space<vmem>>, vector<256x256xf32>,
    return
  }
  func.func @transform_0(%arg0: i32) -> (i32, i32) {
    %c0_i32 = arith.constant 0 : i32
    %c0_i32_0 = arith.constant 0 : i32
    return %arg0, %c0_i32 : i32, i32
  }
  func.func @transform_1(%arg0: i32) -> (i32, i32) {
    %c0_i32 = arith.constant 0 : i32
    %c0_i32_0 = arith.constant 0 : i32
    return %arg0, %c0_i32 : i32, i32
  }
  func.func @transform_2(%arg0: i32) -> (i32, i32) {
    %c0_i32 = arith.constant 0 : i32
    %c0_i32_0 = arith.constant 0 : i32
    return %arg0, %c0_i32 : i32, i32
  }
  func.func @transform_3(%arg0: i32) -> (i32, i32, i32) {
    %c0_i32 = arith.constant 0 : i32
    %c0_i32_0 = arith.constant 0 : i32
    %c0_i32_1 = arith.constant 0 : i32
    return %arg0, %c0_i32, %c0_i32_0 : i32, i32, i32
  }
  func.func @transform_4(%arg0: i32) -> (i32, i32, i32) {
    %c0_i32 = arith.constant 0 : i32
    %c0_i32_0 = arith.constant 0 : i32
    %c0_i32_1 = arith.constant 0 : i32
    return %arg0, %c0_i32, %c0_i32_0 : i32, i32, i32
  }
  func.func @transform_5(%arg0: i32) -> (i32, i32) {
    %c0_i32 = arith.constant 0 : i32
    %c0_i32_0 = arith.constant 0 : i32
    %c0_i32_1 = arith.constant 0 : i32
    return %c0_i32, %c0_i32_0 : i32, i32
  }
  func.func @transform_6(%arg0: i32) -> (i32, i32) {
    %c0_i32 = arith.constant 0 : i32
    %c0_i32_0 = arith.constant 0 : i32
    %c0_i32_1 = arith.constant 0 : i32
    return %c0_i32, %c0_i32_0 : i32, i32
  }
  func.func @transform_7(%arg0: i32) -> (i32, i32) {
    %c0_i32 = arith.constant 0 : i32
    %c0_i32_0 = arith.constant 0 : i32
    %c0_i32_1 = arith.constant 0 : i32
    return %c0_i32, %c0_i32_0 : i32, i32
  }
  func.func @transform_8(%arg0: i32) -> (i32, i32) {
    %c0_i32 = arith.constant 0 : i32
    %c0_i32_0 = arith.constant 0 : i32
    %c0_i32_1 = arith.constant 0 : i32
    return %c0_i32, %c0_i32_0 : i32, i32
  }
  func.func @transform_9(%arg0: i32) -> (i32, i32) {
    %c0_i32 = arith.constant 0 : i32
    %c0_i32_0 = arith.constant 0 : i32
    %c0_i32_1 = arith.constant 0 : i32
    return %c0_i32, %c0_i32_0 : i32, i32
  }
  func.func @transform_10(%arg0: i32) -> (i32, i32) {
    %c0_i32 = arith.constant 0 : i32
    %c0_i32_0 = arith.constant 0 : i32
    %c0_i32_1 = arith.constant 0 : i32
    return %c0_i32, %c0_i32_0 : i32, i32
  }
  func.func @transform_11(%arg0: i32) -> (i32, i32) {
    %c0_i32 = arith.constant 0 : i32
    %c0_i32_0 = arith.constant 0 : i32
    %c0_i32_1 = arith.constant 0 : i32
    return %c0_i32, %c0_i32_0 : i32, i32
  }
  func.func @transform_12(%arg0: i32) -> (i32, i32) {
    %c0_i32 = arith.constant 0 : i32
    %c0_i32_0 = arith.constant 0 : i32
    %c0_i32_1 = arith.constant 0 : i32
    return %c0_i32, %c0_i32_0 : i32, i32
  }
  func.func @transform_13(%arg0: i32) -> (i32, i32) {
    %c0_i32 = arith.constant 0 : i32
    %c0_i32_0 = arith.constant 0 : i32
    %c0_i32_1 = arith.constant 0 : i32
    return %c0_i32, %c0_i32_0 : i32, i32
  }
  func.func @transform_14(%arg0: i32) -> (i32, i32) {
    %c0_i32 = arith.constant 0 : i32
    %c0_i32_0 = arith.constant 0 : i32
    %c0_i32_1 = arith.constant 0 : i32
    return %c0_i32, %c0_i32_0 : i32, i32
  }
  func.func @transform_17(%arg0: i32) -> (i32, i32) {
    %add3A = arith.constant 0 : i32
    %add3A_0 = arith.addi %arg0, %add3A : i32
    %c0_i32 = arith.constant 0 : i32
    %c0_i32_1 = arith.constant 0 : i32
    return %add3A_0, %c0_i32 : i32, i32
  }
  func.func @transform_18(%arg0: i32) -> (i32, i32, i32) {
    %add3A = arith.constant 0 : i32
    %add3A_0 = arith.addi %arg0, %add3A : i32
    %c0_i32 = arith.constant 0 : i32
    %c0_i32_1 = arith.constant 0 : i32
    %c0_i32_2 = arith.constant 0 : i32
    return %add3A_0, %c0_i32, %c0_i32_1 : i32, i32, i32
  }
}

module attributes {stable_mosaic.version = 14 : i64} {
  func.func @_attn_body(%arg0: i32, %arg1: memref<256x256xf32, #tpu.memory_space<vmem>>, %arg2: memref<256x256xf32, #tpu.memory_space<vmem>>, %arg3: memref<256x16xf32, #tpu.memory_space<vmem>>, %arg4: memref<256x16x256xf32, #tpu.memory_space<vmem>>, %arg5: memref<256x16x128xf32, #tpu.memory_space<vmem>>, %arg6: memref<16x256xbf16, #tpu.memory_space<vmem>>, %arg7: memref<1x256xf32, #tpu.memory_space<vmem>>, %arg8: memref<256x256xbf16, #tpu.memory_space<vmem>>, %arg9: memref<1x256xf32, #tpu.memory_space<vmem>>, %arg10: memref<256x256xbf16, #tpu.memory_space<vmem>>, %arg11: memref<1x256xf32, #tpu.memory_space<vmem>>, %arg12: memref<256x256xbf16, #tpu.memory_space<vmem>>, %arg13: memref<1x256xf32, #tpu.memory_space<vmem>>, %arg14: memref<256x256xbf16, #tpu.memory_space<vmem>>, %arg15: memref<1x256xf32, #tpu.memory_space<vmem>>, %arg16: memref<8192x256xf32, #tpu.memory_space<any>>, %arg17: memref<8192x16x256xf32, #tpu.memory_space<any>>, %arg18: memref<256x256xf32, #tpu.memory_space<vmem>>, %arg19: memref<256x16x256xf32, #tpu.memory_space<vmem>>) attributes {dimension_semantics = [#tpu.dimension_semantics<arbitrary>], iteration_bounds = array<i64: 16>, scalar_prefetch = 0 : i64, scratch_operands = 0 : i64, tpu.core_type = #tpu.core_type<tc>, window_params = [{transform_indices = @transform_0, window_bounds = array<i64: 256, 256>}, {transform_indices = @transform_1, window_bounds = array<i64: 256, 256>}, {transform_indices = @transform_2, window_bounds = array<i64: 256, 16>}, {transform_indices = @transform_3, window_bounds = array<i64: 256, 16, 256>}, {transform_indices = @transform_4, window_bounds = array<i64: 256, 16, 128>}, {pipeline_mode = #tpu.pipeline_mode<synchronous>, transform_indices = @transform_5, window_bounds = array<i64: 16, 256>}, {pipeline_mode = #tpu.pipeline_mode<synchronous>, transform_indices = @transform_6, window_bounds = array<i64: 1, 256>}, {pipeline_mode = #tpu.pipeline_mode<synchronous>, transform_indices = @transform_7, window_bounds = array<i64: 256, 256>}, {pipeline_mode = #tpu.pipeline_mode<synchronous>, transform_indices = @transform_8, window_bounds = array<i64: 1, 256>}, {pipeline_mode = #tpu.pipeline_mode<synchronous>, transform_indices = @transform_9, window_bounds = array<i64: 256, 256>}, {pipeline_mode = #tpu.pipeline_mode<synchronous>, transform_indices = @transform_10, window_bounds = array<i64: 1, 256>}, {pipeline_mode = #tpu.pipeline_mode<synchronous>, transform_indices = @transform_11, window_bounds = array<i64: 256, 256>}, {pipeline_mode = #tpu.pipeline_mode<synchronous>, transform_indices = @transform_12, window_bounds = array<i64: 1, 256>}, {pipeline_mode = #tpu.pipeline_mode<synchronous>, transform_indices = @transform_13, window_bounds = array<i64: 256, 256>}, {pipeline_mode = #tpu.pipeline_mode<synchronous>, transform_indices = @transform_14, window_bounds = array<i64: 1, 256>}, {}, {}, {transform_indices = @transform_17, window_bounds = array<i64: 256, 256>}, {transform_indices = @transform_18, window_bounds = array<i64: 256, 16, 256>}]} {
    %get3A = arith.constant 0 : index
    %get3A_0 = arith.constant 0 : index
    %get3A_1 = arith.constant 0 : index
    %get3A_2 = vector.load %arg4[%get3A, %get3A_0, %get3A_1] : memref<256x16x256xf32, #tpu.memory_space<vmem>>, vector<256x16x256xf32>
    %bitcast_convert_type3A = tpu.bitcast %get3A_2 : vector<256x16x256xf32> -> vector<256x16x256xi32>
    %shift_left3A = arith.constant 16 : i32
    %shift_left3A_3 = vector.broadcast %shift_left3A : i32 to vector<256x16x256xi32>
    %shift_left3A_4 = arith.shli %bitcast_convert_type3A, %shift_left3A_3 : vector<256x16x256xi32>
    %bitcast_convert_type3A_5 = tpu.bitcast %shift_left3A_4 : vector<256x16x256xi32> -> vector<256x16x256xf32>
    %reshape3A = vector.shape_cast %bitcast_convert_type3A_5 : vector<256x16x256xf32> to vector<4096x256xf32>
    %and3A = arith.constant -65536 : i32
    %and3A_6 = vector.broadcast %and3A : i32 to vector<256x16x256xi32>
    %and3A_7 = arith.andi %bitcast_convert_type3A, %and3A_6 : vector<256x16x256xi32>
    %bitcast_convert_type3A_8 = tpu.bitcast %and3A_7 : vector<256x16x256xi32> -> vector<256x16x256xf32>
    %get3A_9 = arith.constant 0 : index
    %get3A_10 = arith.constant 0 : index
    %get3A_11 = arith.constant 0 : index
    %get3A_12 = vector.load %arg5[%get3A_9, %get3A_10, %get3A_11] : memref<256x16x128xf32, #tpu.memory_space<vmem>>, vector<256x16x16xf32>
    %get3A_13 = arith.constant 0 : index
    %get3A_14 = arith.constant 0 : index
    %get3A_15 = vector.load %arg3[%get3A_13, %get3A_14] : memref<256x16xf32, #tpu.memory_space<vmem>>, vector<256x16xf32>
    %broadcast_in_dim3A = vector.shape_cast %get3A_15 : vector<256x16xf32> to vector<256x1x16xf32>
    %sub3A = vector.broadcast %broadcast_in_dim3A : vector<256x1x16xf32> to vector<256x16x16xf32>
    %sub3A_16 = arith.subf %sub3A, %get3A_12 : vector<256x16x16xf32>
    %reshape3A_17 = vector.shape_cast %sub3A_16 : vector<256x16x16xf32> to vector<4096x16xf32>
    %convert_element_type3A = arith.truncf %reshape3A_17 : vector<4096x16xf32> to vector<4096x16xbf16>
    %get3A_18 = arith.constant 0 : index
    %get3A_19 = arith.constant 0 : index
    %get3A_20 = vector.load %arg6[%get3A_18, %get3A_19] : memref<16x256xbf16, #tpu.memory_space<vmem>>, vector<16x256xbf16>
    %dot_general3A = arith.constant dense<0.000000e+00> : vector<4096x256xf32>
    %dot_general3A_21 = tpu.matmul %convert_element_type3A, %get3A_20, %dot_general3A {dimension_numbers = #tpu.dot_dimension_numbers<[1], [0], [0], [1], [0, 0, 1, 1], [], []>, transpose_lhs_hint = false} : vector<4096x16xbf16>, vector<16x256xbf16>, vector<4096x256xf32> -> vector<4096x256xf32>
    %get3A_22 = arith.constant 0 : index
    %get3A_23 = arith.constant 0 : index
    %get3A_24 = vector.load %arg7[%get3A_22, %get3A_23] : memref<1x256xf32, #tpu.memory_space<vmem>>, vector<1x256xf32>
    %add3A = vector.broadcast %get3A_24 : vector<1x256xf32> to vector<4096x256xf32>
    %add3A_25 = arith.addf %dot_general3A_21, %add3A : vector<4096x256xf32>
    %max3A = arith.constant 0.000000e+00 : f32
    %max3A_26 = vector.broadcast %max3A : f32 to vector<4096x256xf32>
    %max3A_27 = arith.maximumf %add3A_25, %max3A_26 : vector<4096x256xf32>
    %convert_element_type3A_28 = arith.truncf %max3A_27 : vector<4096x256xf32> to vector<4096x256xbf16>
    %get3A_29 = arith.constant 0 : index
    %get3A_30 = arith.constant 0 : index
    %get3A_31 = vector.load %arg8[%get3A_29, %get3A_30] : memref<256x256xbf16, #tpu.memory_space<vmem>>, vector<256x256xbf16>
    %dot_general3A_32 = arith.constant dense<0.000000e+00> : vector<4096x256xf32>
    %dot_general3A_33 = tpu.matmul %convert_element_type3A_28, %get3A_31, %dot_general3A_32 {dimension_numbers = #tpu.dot_dimension_numbers<[1], [0], [0], [1], [0, 0, 1, 1], [], []>, transpose_lhs_hint = false} : vector<4096x256xbf16>, vector<256x256xbf16>, vector<4096x256xf32> -> vector<4096x256xf32>
    %get3A_34 = arith.constant 0 : index
    %get3A_35 = arith.constant 0 : index
    %get3A_36 = vector.load %arg9[%get3A_34, %get3A_35] : memref<1x256xf32, #tpu.memory_space<vmem>>, vector<1x256xf32>
    %add3A_37 = vector.broadcast %get3A_36 : vector<1x256xf32> to vector<4096x256xf32>
    %add3A_38 = arith.addf %dot_general3A_33, %add3A_37 : vector<4096x256xf32>
    %get3A_39 = arith.constant 0 : index
    %get3A_40 = arith.constant 0 : index
    %get3A_41 = vector.load %arg1[%get3A_39, %get3A_40] : memref<256x256xf32, #tpu.memory_space<vmem>>, vector<256x256xf32>
    %broadcast_in_dim3A_42 = vector.shape_cast %get3A_41 : vector<256x256xf32> to vector<256x1x256xf32>
    %broadcast_in_dim3A_43 = vector.shape_cast %broadcast_in_dim3A_42 : vector<256x1x256xf32> to vector<256x1x256xf32>
    %broadcast_in_dim3A_44 = vector.broadcast %broadcast_in_dim3A_43 : vector<256x1x256xf32> to vector<256x16x256xf32>
    %reshape3A_45 = vector.shape_cast %broadcast_in_dim3A_44 : vector<256x16x256xf32> to vector<4096x256xf32>
    %sub3A_46 = arith.subf %reshape3A_45, %reshape3A : vector<4096x256xf32>
    %add3A_47 = arith.addf %sub3A_46, %add3A_38 : vector<4096x256xf32>
    %convert_element_type3A_48 = arith.truncf %add3A_47 : vector<4096x256xf32> to vector<4096x256xbf16>
    %get3A_49 = arith.constant 0 : index
    %get3A_50 = arith.constant 0 : index
    %get3A_51 = vector.load %arg10[%get3A_49, %get3A_50] : memref<256x256xbf16, #tpu.memory_space<vmem>>, vector<256x256xbf16>
    %dot_general3A_52 = arith.constant dense<0.000000e+00> : vector<4096x256xf32>
    %dot_general3A_53 = tpu.matmul %convert_element_type3A_48, %get3A_51, %dot_general3A_52 {dimension_numbers = #tpu.dot_dimension_numbers<[1], [0], [0], [1], [0, 0, 1, 1], [], []>, transpose_lhs_hint = false} : vector<4096x256xbf16>, vector<256x256xbf16>, vector<4096x256xf32> -> vector<4096x256xf32>
    %get3A_54 = arith.constant 0 : index
    %get3A_55 = arith.constant 0 : index
    %get3A_56 = vector.load %arg11[%get3A_54, %get3A_55] : memref<1x256xf32, #tpu.memory_space<vmem>>, vector<1x256xf32>
    %add3A_57 = vector.broadcast %get3A_56 : vector<1x256xf32> to vector<4096x256xf32>
    %add3A_58 = arith.addf %dot_general3A_53, %add3A_57 : vector<4096x256xf32>
    %max3A_59 = arith.constant 0.000000e+00 : f32
    %max3A_60 = vector.broadcast %max3A_59 : f32 to vector<4096x256xf32>
    %max3A_61 = arith.maximumf %add3A_58, %max3A_60 : vector<4096x256xf32>
    %convert_element_type3A_62 = arith.truncf %max3A_61 : vector<4096x256xf32> to vector<4096x256xbf16>
    %get3A_63 = arith.constant 0 : index
    %get3A_64 = arith.constant 0 : index
    %get3A_65 = vector.load %arg12[%get3A_63, %get3A_64] : memref<256x256xbf16, #tpu.memory_space<vmem>>, vector<256x256xbf16>
    %dot_general3A_66 = arith.constant dense<0.000000e+00> : vector<4096x256xf32>
    %dot_general3A_67 = tpu.matmul %convert_element_type3A_62, %get3A_65, %dot_general3A_66 {dimension_numbers = #tpu.dot_dimension_numbers<[1], [0], [0], [1], [0, 0, 1, 1], [], []>, transpose_lhs_hint = false} : vector<4096x256xbf16>, vector<256x256xbf16>, vector<4096x256xf32> -> vector<4096x256xf32>
    %get3A_68 = arith.constant 0 : index
    %get3A_69 = arith.constant 0 : index
    %get3A_70 = vector.load %arg13[%get3A_68, %get3A_69] : memref<1x256xf32, #tpu.memory_space<vmem>>, vector<1x256xf32>
    %add3A_71 = vector.broadcast %get3A_70 : vector<1x256xf32> to vector<4096x256xf32>
    %add3A_72 = arith.addf %dot_general3A_67, %add3A_71 : vector<4096x256xf32>
    %mul3A = arith.constant 6.250000e-02 : f32
    %mul3A_73 = vector.broadcast %mul3A : f32 to vector<4096x256xf32>
    %mul3A_74 = arith.mulf %add3A_72, %mul3A_73 : vector<4096x256xf32>
    %reshape3A_75 = vector.shape_cast %mul3A_74 : vector<4096x256xf32> to vector<256x16x256xf32>
    %reduce_max3A = arith.constant dense<0xFF800000> : vector<256x256xf32>
    %reduce_max3A_76 = vector.multi_reduction <maximumf>, %reshape3A_75, %reduce_max3A [1] : vector<256x16x256xf32> to vector<256x256xf32>
    %broadcast_in_dim3A_77 = vector.shape_cast %reduce_max3A_76 : vector<256x256xf32> to vector<256x1x256xf32>
    %sub3A_78 = vector.broadcast %broadcast_in_dim3A_77 : vector<256x1x256xf32> to vector<256x16x256xf32>
    %sub3A_79 = arith.subf %reshape3A_75, %sub3A_78 : vector<256x16x256xf32>
    %exp3A = math.exp %sub3A_79 : vector<256x16x256xf32>
    %reduce_sum3A = arith.constant dense<0.000000e+00> : vector<256x256xf32>
    %reduce_sum3A_80 = vector.multi_reduction <add>, %exp3A, %reduce_sum3A [1] : vector<256x16x256xf32> to vector<256x256xf32>
    %broadcast_in_dim3A_81 = vector.shape_cast %reduce_sum3A_80 : vector<256x256xf32> to vector<256x1x256xf32>
    %div3A = vector.broadcast %broadcast_in_dim3A_81 : vector<256x1x256xf32> to vector<256x16x256xf32>
    %div3A_82 = arith.divf %exp3A, %div3A : vector<256x16x256xf32>
    %swap3A = arith.constant 0 : index
    %swap3A_83 = arith.constant 0 : index
    %swap3A_84 = arith.constant 0 : index
    %swap3A_85 = vector.load %arg19[%swap3A, %swap3A_83, %swap3A_84] : memref<256x16x256xf32, #tpu.memory_space<vmem>>, vector<256x16x256xf32>
    tpu.vector_store %arg19[%swap3A, %swap3A_83, %swap3A_84], %div3A_82 {strides = array<i32>} : memref<256x16x256xf32, #tpu.memory_space<vmem>>, vector<256x16x256xf32>,
    %reshape3A_86 = vector.shape_cast %add3A_38 : vector<4096x256xf32> to vector<256x16x256xf32>
    %add3A_87 = arith.addf %bitcast_convert_type3A_8, %reshape3A_86 : vector<256x16x256xf32>
    %mul3A_88 = arith.mulf %div3A_82, %add3A_87 : vector<256x16x256xf32>
    %reduce_sum3A_89 = arith.constant dense<0.000000e+00> : vector<256x256xf32>
    %reduce_sum3A_90 = vector.multi_reduction <add>, %mul3A_88, %reduce_sum3A_89 [1] : vector<256x16x256xf32> to vector<256x256xf32>
    %convert_element_type3A_91 = arith.truncf %reduce_sum3A_90 : vector<256x256xf32> to vector<256x256xbf16>
    %get3A_92 = arith.constant 0 : index
    %get3A_93 = arith.constant 0 : index
    %get3A_94 = vector.load %arg14[%get3A_92, %get3A_93] : memref<256x256xbf16, #tpu.memory_space<vmem>>, vector<256x256xbf16>
    %dot_general3A_95 = arith.constant dense<0.000000e+00> : vector<256x256xf32>
    %dot_general3A_96 = tpu.matmul %convert_element_type3A_91, %get3A_94, %dot_general3A_95 {dimension_numbers = #tpu.dot_dimension_numbers<[1], [0], [0], [1], [0, 0, 1, 1], [], []>, transpose_lhs_hint = false} : vector<256x256xbf16>, vector<256x256xbf16>, vector<256x256xf32> -> vector<256x256xf32>
    %get3A_97 = arith.constant 0 : index
    %get3A_98 = arith.constant 0 : index
    %get3A_99 = vector.load %arg15[%get3A_97, %get3A_98] : memref<1x256xf32, #tpu.memory_space<vmem>>, vector<1x256xf32>
    %add3A_100 = vector.broadcast %get3A_99 : vector<1x256xf32> to vector<256x256xf32>
    %add3A_101 = arith.addf %dot_general3A_96, %add3A_100 : vector<256x256xf32>
    %get3A_102 = arith.constant 0 : index
    %get3A_103 = arith.constant 0 : index
    %get3A_104 = vector.load %arg2[%get3A_102, %get3A_103] : memref<256x256xf32, #tpu.memory_space<vmem>>, vector<256x256xf32>
    %add3A_105 = arith.addf %add3A_101, %get3A_104 : vector<256x256xf32>
    %swap3A_106 = arith.constant 0 : index
    %swap3A_107 = arith.constant 0 : index
    %swap3A_108 = vector.load %arg18[%swap3A_106, %swap3A_107] : memref<256x256xf32, #tpu.memory_space<vmem>>, vector<256x256xf32>
    tpu.vector_store %arg18[%swap3A_106, %swap3A_107], %add3A_105 {strides = array<i32>} : memref<256x256xf32, #tpu.memory_space<vmem>>, vector<256x256xf32>,
    return
  }
  func.func @transform_0(%arg0: i32) -> (i32, i32) {
    %c0_i32 = arith.constant 0 : i32
    %c0_i32_0 = arith.constant 0 : i32
    return %arg0, %c0_i32 : i32, i32
  }
  func.func @transform_1(%arg0: i32) -> (i32, i32) {
    %c0_i32 = arith.constant 0 : i32
    %c0_i32_0 = arith.constant 0 : i32
    return %arg0, %c0_i32 : i32, i32
  }
  func.func @transform_2(%arg0: i32) -> (i32, i32) {
    %c0_i32 = arith.constant 0 : i32
    %c0_i32_0 = arith.constant 0 : i32
    return %arg0, %c0_i32 : i32, i32
  }
  func.func @transform_3(%arg0: i32) -> (i32, i32, i32) {
    %c0_i32 = arith.constant 0 : i32
    %c0_i32_0 = arith.constant 0 : i32
    %c0_i32_1 = arith.constant 0 : i32
    return %arg0, %c0_i32, %c0_i32_0 : i32, i32, i32
  }
  func.func @transform_4(%arg0: i32) -> (i32, i32, i32) {
    %c0_i32 = arith.constant 0 : i32
    %c0_i32_0 = arith.constant 0 : i32
    %c0_i32_1 = arith.constant 0 : i32
    return %arg0, %c0_i32, %c0_i32_0 : i32, i32, i32
  }
  func.func @transform_5(%arg0: i32) -> (i32, i32) {
    %c0_i32 = arith.constant 0 : i32
    %c0_i32_0 = arith.constant 0 : i32
    %c0_i32_1 = arith.constant 0 : i32
    return %c0_i32, %c0_i32_0 : i32, i32
  }
  func.func @transform_6(%arg0: i32) -> (i32, i32) {
    %c0_i32 = arith.constant 0 : i32
    %c0_i32_0 = arith.constant 0 : i32
    %c0_i32_1 = arith.constant 0 : i32
    return %c0_i32, %c0_i32_0 : i32, i32
  }
  func.func @transform_7(%arg0: i32) -> (i32, i32) {
    %c0_i32 = arith.constant 0 : i32
    %c0_i32_0 = arith.constant 0 : i32
    %c0_i32_1 = arith.constant 0 : i32
    return %c0_i32, %c0_i32_0 : i32, i32
  }
  func.func @transform_8(%arg0: i32) -> (i32, i32) {
    %c0_i32 = arith.constant 0 : i32
    %c0_i32_0 = arith.constant 0 : i32
    %c0_i32_1 = arith.constant 0 : i32
    return %c0_i32, %c0_i32_0 : i32, i32
  }
  func.func @transform_9(%arg0: i32) -> (i32, i32) {
    %c0_i32 = arith.constant 0 : i32
    %c0_i32_0 = arith.constant 0 : i32
    %c0_i32_1 = arith.constant 0 : i32
    return %c0_i32, %c0_i32_0 : i32, i32
  }
  func.func @transform_10(%arg0: i32) -> (i32, i32) {
    %c0_i32 = arith.constant 0 : i32
    %c0_i32_0 = arith.constant 0 : i32
    %c0_i32_1 = arith.constant 0 : i32
    return %c0_i32, %c0_i32_0 : i32, i32
  }
  func.func @transform_11(%arg0: i32) -> (i32, i32) {
    %c0_i32 = arith.constant 0 : i32
    %c0_i32_0 = arith.constant 0 : i32
    %c0_i32_1 = arith.constant 0 : i32
    return %c0_i32, %c0_i32_0 : i32, i32
  }
  func.func @transform_12(%arg0: i32) -> (i32, i32) {
    %c0_i32 = arith.constant 0 : i32
    %c0_i32_0 = arith.constant 0 : i32
    %c0_i32_1 = arith.constant 0 : i32
    return %c0_i32, %c0_i32_0 : i32, i32
  }
  func.func @transform_13(%arg0: i32) -> (i32, i32) {
    %c0_i32 = arith.constant 0 : i32
    %c0_i32_0 = arith.constant 0 : i32
    %c0_i32_1 = arith.constant 0 : i32
    return %c0_i32, %c0_i32_0 : i32, i32
  }
  func.func @transform_14(%arg0: i32) -> (i32, i32) {
    %c0_i32 = arith.constant 0 : i32
    %c0_i32_0 = arith.constant 0 : i32
    %c0_i32_1 = arith.constant 0 : i32
    return %c0_i32, %c0_i32_0 : i32, i32
  }
  func.func @transform_17(%arg0: i32) -> (i32, i32) {
    %add3A = arith.constant 16 : i32
    %add3A_0 = arith.addi %arg0, %add3A : i32
    %c0_i32 = arith.constant 0 : i32
    %c0_i32_1 = arith.constant 0 : i32
    return %add3A_0, %c0_i32 : i32, i32
  }
  func.func @transform_18(%arg0: i32) -> (i32, i32, i32) {
    %add3A = arith.constant 16 : i32
    %add3A_0 = arith.addi %arg0, %add3A : i32
    %c0_i32 = arith.constant 0 : i32
    %c0_i32_1 = arith.constant 0 : i32
    %c0_i32_2 = arith.constant 0 : i32
    return %add3A_0, %c0_i32, %c0_i32_1 : i32, i32, i32
  }
}

</mosaic_0001>

<sc_bundles>
// kernel: kernel.11.cloned.1.call-start
scs
__scs_entry_jumppad:
0x0: {  	(pc) =	sbr.rel $0x88, $3  }
0x1: {  	(tag) =	ssettag $0x0;
	lr =	simm.s32 $0x1  }
0x2: {  	[smem:$0x3F90] =	sst lr;
	_ =	strace $0xD0000000  }
0x3: {  	_ = 	snop  }
0x4: {  	_ = 	snop  }
0x5: {  	_ = 	snop  }
0x6: {  	_ = 	snop  }
0x7: {  	_ = 	snop  }
__scs_overlays_trampoline_lowered:
0x8: {  	[smem:$0x3F9F] =	sst s0  }
0x9: {  	[smem:$0x3FA0] =	sst s1  }
0xa: {  	[smem:$0x3FA1] =	sst s2  }
0xb: {  	[smem:$0x3FA2] =	sst s3  }
0xc: {  	[smem:$0x3FA3] =	sst s4  }
0xd: {  	[smem:$0x3FA4] =	sst s5  }
0xe: {  	[smem:$0x3FA5] =	sst s6  }
0xf: {  	[smem:$0x3FA6] =	sst s7  }
0x10: {  	[smem:$0x3FA7] =	sst s8  }
0x11: {  	[smem:$0x3FA8] =	sst s9;
	s0 =	simm.s32 @!p0 $0x0  }
0x12: {  	s1 =	sld [smem:$0x3F8E];
	s0 =	simm.s32 @p0 $0x1  }
0x13: {  	[smem:$0x3FA9] =	sst s0;
	s0 =	simm.s32 @!p1 $0x0  }
0x14: {  	s2 =	sld [smem:$0x3F8D];
	s0 =	simm.s32 @p1 $0x1  }
0x15: {  	[smem:$0x3FAA] =	sst s0;
	s0 =	simm.s32 @!p2 $0x0  }
0x16: {  	s3 =	sld [smem:$0x3FDB];
	s0 =	simm.s32 @p2 $0x1  }
0x17: {  	s4 =	simm.s32 $0x1BF5;
	[smem:$0x3FAC] =	sst s0  }
0x18: {  	s0 =	sld [smem:$0x3F8F];
	_ =	swait.ge [sflag:s4], $0x0  }
0x19: {  	s7 =	sld [smem:$0x3F90]  }
0x1a: {  	s8 =	sadd.s32 $0xFFFFE003, lr  }
0x1b: {  	s9 =	sadd.s32 $0xFFFFFEF7, lr;
	s5 =	simm.s32 $0xFFFFFFFF;
	p2 =	slt.u32 s8, $0xFFFFF086  }
0x1c: {  	p1 =	slt.u32 s9, $0xF7A;
	s5 =	simm.s32 @!p2 $0x0  }
0x1d: {  	s5 =	simm.s32 @p1 $0x1;
	p0 =	seq.s32 s7, s2  }
0x1e: {  	s7 =	smul.u32 @!p0 $0xF7A, s2;
	p2 =	seq.s32 @!p0 s5, $0x0  }
0x1f: {  	s9 =	smul.u32 $0xF7A, s1;
	s8 =	simm.s32 @!p0 $0x1BF5;
	p2 =	por !p2, p0  }
0x20: {  	[sflag:s8] =	ssyncset.s32 @!p0 $0xFFFFF086;
	s6 =	sadd.s32 @!p0 s3, s7;
	s7 =	simm.s32 @!p0 $0x108  }
0x21: {  	s3 =	sadd.s32 s3, s9;
	s6 =	sadd.s32 @!p0 $0x88, s6;
	s7 =	simm.s32 @p2 $0x1082  }
0x22: {  	[simem:s7], [sflag:s8] =	dma.local @!p0 [hbm:s6], $0xF7A  }
0x23: {  	s9 =	sor.u32 $0xD0000000, s2;
	s6 =	simm.s32 $0x108;
	_ =	swait.ge @!p0 [sflag:s8], $0x0  }
0x24: {  	s3 =	sadd.s32 $0x88, s3;
	s6 =	simm.s32 @!p1 $0x1082;
	[sflag:s4] =	ssyncset.s32 $0xFFFFF086  }
0x25: {  	[simem:s6], [sflag:s4] =	dma.local [hbm:s3], $0xF7A  }
0x26: {  	[smem:$0x3F90] =	sst s1;
	(tag) =	ssettag s2;
	_ =	strace s9  }
0x27: {  	s1 =	sld [smem:$0x3FA0]  }
0x28: {  	s2 =	sld [smem:$0x3FA1]  }
0x29: {  	s4 =	sld [smem:$0x3FA3]  }
0x2a: {  	p0 =	seq.s32 s5, $0x0;
	s5 =	sld [smem:$0x3FA4]  }
0x2b: {  	s6 =	sld [smem:$0x3FA5]  }
0x2c: {  	s7 =	sld [smem:$0x3FA6]  }
0x2d: {  	s3 =	simm.s32 $0x108;
	s8 =	sld [smem:$0x3FA7]  }
0x2e: {  	s3 =	simm.s32 @!p0 $0x1082;
	s9 =	sld [smem:$0x3FA8]  }
0x2f: {  	lr =	sadd.s32 s0, s3;
	s0 =	sld [smem:$0x3F9F]  }
0x30: {  	s3 =	sld [smem:$0x3FA2]  }
0x31: {  	[smem:$0x3FAB] =	sst s10  }
0x32: {  	s10 =	sld [smem:$0x3FA9];
	_ =	sdelay $0x3  }
0x33: {  	p0 =	seq.s32 s10, $0x1;
	s10 =	sld [smem:$0x3FAB];
	_ =	sdelay $0x3  }
0x34: {  	[smem:$0x3FAB] =	sst s10  }
0x35: {  	s10 =	sld [smem:$0x3FAA];
	_ =	sdelay $0x3  }
0x36: {  	p1 =	seq.s32 s10, $0x1;
	s10 =	sld [smem:$0x3FAB];
	_ =	sdelay $0x3  }
0x37: {  	[smem:$0x3FAB] =	sst s10  }
0x38: {  	s10 =	sld [smem:$0x3FAC]  }
0x39: {  	_ = 	snop;
	(pc) =	sbr.ind lr, $3  }
0x3a: {  	_ = 	snop  }
0x3b: {  	_ = 	snop  }
0x3c: {  	p2 =	seq.s32 s10, $0x1;
	s10 =	sld [smem:$0x3FAB]  }
0x3d: {  	_ =	shalt  }
0x3e: {  	_ =	shalt  }
0x3f: {  	_ =	shalt  }
0x40: {  	_ =	shalt  }
0x41: {  	_ =	shalt  }
0x42: {  	_ =	shalt  }
0x43: {  	_ =	shalt  }
0x44: {  	_ =	shalt  }
0x45: {  	_ =	shalt  }
0x46: {  	_ =	shalt  }
0x47: {  	_ =	shalt  }
0x48: {  	_ =	shalt  }
0x49: {  	_ =	shalt  }
0x4a: {  	_ =	shalt  }
0x4b: {  	_ =	shalt  }
0x4c: {  	_ =	shalt  }
0x4d: {  	_ =	shalt  }
0x4e: {  	_ =	shalt  }
0x4f: {  	_ =	shalt  }
0x50: {  	_ =	shalt  }
0x51: {  	_ =	shalt  }
0x52: {  	_ =	shalt  }
0x53: {  	_ =	shalt  }
0x54: {  	_ =	shalt  }
0x55: {  	_ =	shalt  }
0x56: {  	_ =	shalt  }
0x57: {  	_ =	shalt  }
0x58: {  	_ =	shalt  }
0x59: {  	_ =	shalt  }
0x5a: {  	_ =	shalt  }
0x5b: {  	_ =	shalt  }
0x5c: {  	_ =	shalt  }
0x5d: {  	_ =	shalt  }
0x5e: {  	_ =	shalt  }
0x5f: {  	_ =	shalt  }
0x60: {  	_ =	shalt  }
0x61: {  	_ =	shalt  }
0x62: {  	_ =	shalt  }
0x63: {  	_ =	shalt  }
0x64: {  	_ =	shalt  }
0x65: {  	_ =	shalt  }
0x66: {  	_ =	shalt  }
0x67: {  	_ =	shalt  }
0x68: {  	_ =	shalt  }
0x69: {  	_ =	shalt  }
0x6a: {  	_ =	shalt  }
0x6b: {  	_ =	shalt  }
0x6c: {  	_ =	shalt  }
0x6d: {  	_ =	shalt  }
0x6e: {  	_ =	shalt  }
0x6f: {  	_ =	shalt  }
0x70: {  	_ =	shalt  }
0x71: {  	_ =	shalt  }
0x72: {  	_ =	shalt  }
0x73: {  	_ =	shalt  }
0x74: {  	_ =	shalt  }
0x75: {  	_ =	shalt  }
0x76: {  	_ =	shalt  }
0x77: {  	_ =	shalt  }
0x78: {  	_ =	shalt  }
0x79: {  	_ =	shalt  }
0x7a: {  	_ =	shalt  }
0x7b: {  	_ =	shalt  }
0x7c: {  	_ =	shalt  }
0x7d: {  	_ =	shalt  }
0x7e: {  	_ =	shalt  }
0x7f: {  	_ =	shalt  }
0x80: {  	_ =	shalt  }
0x81: {  	_ =	shalt  }
0x82: {  	_ =	shalt  }
0x83: {  	_ =	shalt  }
0x84: {  	_ =	shalt  }
0x85: {  	_ =	shalt  }
0x86: {  	_ =	shalt  }
0x87: {  	_ =	shalt  }
.Lfunc_end0:
.L_simem_size_0:
called_computation.1_lowered:
.L_overlay_start_0:
0x88: {  	s2 =	sld [smem:$0x3FD9]  }
0x89: {  	s3 =	sld [smem:$0x3FFE];
	_ =	sdelay $0x1  }
0x8a: {  	s1 =	srdreg.scid  }
0x8b: {  	s0 =	sand.u32 $0x1, s1  }
0x8c: {  	s17 =	sshll.u32 s0, $0xA;
	s2 =	sadd.s32 s3, s2  }
0x8d: {  	s2 =	sadd.s32 s2, s17  }
0x8e: {  	[smem:$0x3FB7] =	sst s2  }
0x8f: {  	_ = 	snop  }
0x90: {  	(tm) =	ssettm $0x1  }
0x91: {  	s18 =	sld [smem:$0x3FFB];
	_ =	sdelay $0x3  }
0x92: {  	_ =	strace s18  }
0x93: {  	s2 =	sld [smem:$0x3FFC];
	_ =	sdelay $0x3  }
0x94: {  	_ =	strace s2  }
0x95: {  	s2 =	sld [smem:$0x3FFD];
	_ =	sdelay $0x3  }
0x96: {  	_ =	strace s2  }
0x97: {  	_ =	strace $0x8FFFFFFF  }
0x98: {  	s19 =	sld [smem:$0x3FDB];
	_ =	sdelay $0x1  }
0x99: {  	s20 =	simm.s32 $_scs_section_size  }
0x9a: {  	s4 =	simm.s32 $_size__tile_overlayer_lowered;
	s5 =	simm.s32 $_tile_overlayer_lowered  }
0x9b: {  	s6 =	simm.s32 $0x1BFF;
	s21 =	sshll.u32 s5, $0x1;
	s3 =	sadd.s32 s20, s19  }
0x9c: {  	s22 =	simm.s32 $0x0;
	s4 =	sshll.u32 s4, $0x1;
	s5 =	sadd.s32 s21, s3  }
0x9d: {  	[timem:s22], [sflag:s6] =	dma.local [hbm:s5], s4  }
0x9e: {  	_ =	swait.ge [sflag:s6], s4  }
0x9f: {  	s4 =	ssub.s32 $0x0, s4;
	[sflag:s6] =	ssyncset.done $0x0  }
0xa0: {  	[sflag:s6] =	ssyncadd.s32 s4;
	_ =	sdelay $0x1  }
0xa1: {  	s23 =	simm.s32 $0x1B8B  }
0xa2: {  	_ =	swait.ge [sflag:s23], $0x1  }
0xa3: {  	[sflag:s23] =	ssyncset.done $0x0  }
0xa4: {  	[sflag:s23] =	ssyncadd.s32 $0xFFFFFFFF  }
0xa5: {  	s4 =	sld [smem:$0x0]  }
0xa6: {  	s5 =	sand.u32 $0xFFFFFFFE, s1  }
0xa7: {  	p0 =	sne.s32 s1, s5  }
0xa8: {  	s5 =	sshll.u32 @p0 s5, $0xE  }
0xa9: {  	s5 =	sadd.s32 @p0 $0x11B8D, s5;
	s6 =	sshll.u32 @p0 s4, $0x11  }
0xaa: {  	s5 =	sor.u32 @p0 s6, s5  }
0xab: {  	[sflag:s5] =	ssyncadd.remote.s32 @p0 $0x1;
	_ =	sdelay $0x1  }
0xac: {  	s5 =	simm.s32 @p0 $0x1B8D  }
0xad: {  	_ =	swait.eq @p0 [sflag:s5], $0x1  }
0xae: {  	[sflag:s5] =	ssyncadd.s32 @p0 $0xFFFFFFFF  }
0xaf: {  	s6 =	sshll.u32 @!p0 s1, $0xE  }
0xb0: {  	s6 =	sor.u32 @!p0 $0x4000, s6;
	s5 =	simm.s32 @!p0 $0x1B8D  }
0xb1: {  	s4 =	sshll.u32 @!p0 s4, $0x11;
	s6 =	sadd.s32 @!p0 $0x11B8D, s6;
	_ =	swait.eq @!p0 [sflag:s5], $0x1  }
0xb2: {  	s4 =	sor.u32 @!p0 s4, s6;
	[sflag:s5] =	ssyncadd.s32 @!p0 $0xFFFFFFFF  }
0xb3: {  	s25 =	simm.s32 $0x1B8E;
	s24 =	sld [smem:$0x3FFE];
	[sflag:s4] =	ssyncadd.remote.s32 @!p0 $0x1  }
0xb4: {  	s26 =	simm.s32 $execute0_lowered;
	[smem:$0x3FD2] =	sst s25  }
0xb5: {  	s5 =	sshll.u32 s26, $0x1;
	_ =	strace $0x80000049;
	[dreg:$0x1] =	wrdreg $0xFFFFFFFF  }
0xb6: {  	s28 =	simm.s32 $_size_execute0_lowered;
	s3 =	sadd.s32 s3, s5;
	[dreg:$0x0] =	wrdreg $0x0  }
0xb7: {  	s5 =	sshll.u32 s28, $0x1;
	[dreg:$0x2] =	wrdreg s3  }
0xb8: {  	[dreg:$0x3] =	wrdreg s5  }
0xb9: {  	[dreg:$0x4] =	wrdreg $0xC0  }
0xba: {  	_ =	task [dreg:s22], $0x5FFFF  }
0xbb: {  	[dreg:$0x1] =	wrdreg $0xFFFFFFFF  }
0xbc: {  	[dreg:$0x0] =	wrdreg $0x60  }
0xbd: {  	[dreg:$0x2] =	wrdreg s24  }
0xbe: {  	[dreg:$0x3] =	wrdreg $0xA  }
0xbf: {  	_ =	task.clear_ibuf [dreg:s22], $0x4FFFF;
	_ =	strace $0x90000049  }
0xc0: {  	s29 =	simm.s32 $0xA;
	_ =	strace $0x8000004B  }
0xc1: {  	_ =	swait.ge [sflag:s29], $0x1  }
0xc2: {  	[sflag:s29] =	ssyncadd.s32 $0xFFFFFFFF  }
0xc3: {  	_ =	strace $0x9000004B  }
0xc4: {  	_ =	sfence  }
0xc5: {  	s30 =	sld [smem:$0x0];
	_ =	sdelay $0x2  }
0xc6: {  	s31 =	sshll.u32 s1, $0xD;
	s1 =	sshrl.u32 s1, $0x2  }
0xc7: {  	s4 =	sand.u32 $0x4000, s31;
	s1 =	sadd.s32 s1, s30  }
0xc8: {  	s0 =	sor.u32 s4, s0;
	s1 =	sshll.u32 s1, $0x11  }
0xc9: {  	s0 =	sor.u32 s1, s0  }
0xca: {  	s0 =	sadd.s32 $0x8F2B, s0  }
0xcb: {  	[sflag:s0] =	ssyncadd.remote.s32 $0x1  }
0xcc: {  	_ =	sfence.sel $0xFFFF  }
0xcd: {  	[dreg:$0x0] =	wrdreg $0xFFFFFFFF;
	(pc) =	sbr.abs _section_cstart, $3  }
0xce: {  	[dreg:$0x1] =	wrdreg $0xFFFFFFFF  }
0xcf: {  	_ =	task.clear_ibuf [dreg:s22], $0x2FFFF;
	_ =	strace $0x9FFFFFFF  }
0xd0: {  	(tm) =	ssettm $0x7FFFFFFF  }
0xd1: {  	_ =	shalt  }
tec
execute0_lowered:
.L_overlay_start_1:
0x0: {  	(tag) =	ssettag $0x1  }
0x1: {  	s0 =	rddreg [dreg:$0x0];
	s2 =	simm.s32 $0x0  }
0x2: {  	s23 =	simm.s32 $0x900;
	[smem:$0x7FF] =	sst s2  }
0x3: {  	s24 =	simm.s32 $0x1100;
	_ =	strace $0x8000004A;
	[dreg:$0x3] =	wrdreg s23  }
0x4: {  	s1 =	stileid.u32;
	s26 =	simm.s32 $0x1900;
	[dreg:$0x4] =	wrdreg s24  }
0x5: {  	s3 =	srdreg.scid;
	s29 =	simm.s32 $0x2100;
	[dreg:$0x5] =	wrdreg s26  }
0x6: {  	s30 =	simm.s32 $0x2900;
	s12 =	simm.s32 $0x3100;
	[dreg:$0x6] =	wrdreg s29  }
0x7: {  	s11 =	simm.s32 $0x3900;
	s14 =	simm.s32 $0x4100;
	[dreg:$0x7] =	wrdreg s30  }
0x8: {  	s15 =	simm.s32 $0x4900;
	s16 =	simm.s32 $0x5100;
	[dreg:$0x8] =	wrdreg s12  }
0x9: {  	s17 =	simm.s32 $0x5900;
	s18 =	simm.s32 $0x6100;
	[dreg:$0x9] =	wrdreg s11  }
0xa: {  	s20 =	simm.s32 $0x6900;
	s21 =	simm.s32 $0x7100;
	[dreg:$0xa] =	wrdreg s14  }
0xb: {  	s22 =	simm.s32 $0x7900;
	s28 =	simm.s32 $0x0;
	[dreg:$0xb] =	wrdreg s15  }
0xc: {  	s4 =	sshll.u32 s1, $0x10;
	s6 =	sand.u32 $0x1, s3;
	[dreg:$0xc] =	wrdreg s16  }
0xd: {  	s3 =	sadd.s32 $0x316200, s0;
	s8 =	sadd.s32 $0x336200, s0;
	[dreg:$0xd] =	wrdreg s17  }
0xe: {  	s7 =	sshll.u32 s1, $0x11;
	s31 =	sshll.u32 s1, $0xC;
	[dreg:$0xe] =	wrdreg s18  }
0xf: {  	s4 =	sadd.s32 s4, s0;
	s5 =	sshll.u32 s6, $0xF;
	[dreg:$0xf] =	wrdreg s20  }
0x10: {  	s25 =	ssub.s32 $0x2, s6;
	s10 =	sshll.u32 s6, $0xB;
	[dreg:$0x10] =	wrdreg s21  }
0x11: {  	s6 =	sshll.u32 s6, $0x10;
	[dreg:$0x11] =	wrdreg s22;
	s23 =	simm.s32 $0xC900  }
0x12: {  	s24 =	simm.s32 $0xD100;
	s26 =	simm.s32 $0xE100;
	s11 =	simm.s32 $0x80  }
0x13: {  	s29 =	simm.s32 $0xE900;
	s12 =	simm.s32 $0x8100;
	s30 =	simm.s32 $0xF100  }
0x14: {  	s14 =	simm.s32 $0x10100;
	s15 =	simm.s32 $0x10900;
	s16 =	simm.s32 $0x11100  }
0x15: {  	s17 =	simm.s32 $0x11900;
	s18 =	simm.s32 $0x12100;
	[dreg:$0x12] =	wrdreg s23  }
0x16: {  	s20 =	simm.s32 $0x13100;
	s21 =	simm.s32 $0x13900;
	[dreg:$0x13] =	wrdreg s24  }
0x17: {  	s22 =	simm.s32 $0x14100;
	s5 =	sadd.s32 s5, s4;
	[dreg:$0x15] =	wrdreg s26  }
0x18: {  	s4 =	sadd.s32 $0x6200, s0;
	s0 =	sadd.s32 s7, s0;
	[dreg:$0x16] =	wrdreg s29  }
0x19: {  	s9 =	sshrl.u32 s25, $0x1;
	[dreg:$0x17] =	wrdreg s30;
	s23 =	simm.s32 $0x1  }
0x1a: {  	s24 =	simm.s32 $0x2;
	s26 =	simm.s32 $0x4;
	s5 =	sadd.s32 $0x538200, s5  }
0x1b: {  	s7 =	ssub.s32 s25, s9;
	s0 =	sadd.s32 s6, s0;
	s9 =	sor.u32 s10, s31  }
0x1c: {  	s25 =	simm.s32 $0xD900;
	s10 =	simm.s32 $0x100;
	[dreg:$0x2] =	wrdreg s5  }
0x1d: {  	s31 =	simm.s32 $0xF900;
	s13 =	smax.u32 s7, $0x1;
	[dreg:$0x14] =	wrdreg s25  }
0x1e: {  	s6 =	sadd.s32 $0x338200, s0;
	s19 =	sshrl.u32 s9, $0x3;
	[dreg:$0x18] =	wrdreg s31  }
0x1f: {  	v2 =	vlaneseq.u32;
	s9 =	sor.u32 $0x80, s9;
	s25 =	simm.s32 $0x3;
	[dreg:$0x19] =	wrdreg s13  }
0x20: {  	vm0 =	vmmov $0xffff;
	v1 =	vshrl.u32 v2, $0x3;
	s7 =	sadd.s32 s19, s8;
	s9 =	sshrl.u32 s9, $0x3;
	s13 =	simm.s32 $0xC100  }
0x21: {  	v0 =	vand.u32 $0x7, v2;
	v2 =	vor.u32 $0x8, v2;
	v1 =	vmul.u32 $0x8, v1;
	s19 =	simm.s32 $0x12900;
	s8 =	sadd.s32 s9, s8;
	s9 =	simm.s32 $0x5  }
.LBB2_1:
0x22: {  	s29 =	smov.u32 s8  }
0x23: {  	s30 =	smov.u32 s7;
	s31 =	smov.u32 s6;
	s0 =	simm.s32 $0x0  }
.LBB2_2:
0x24: {  	[tilespmem:s2], [sflag:$0x5] =	stream.linear.gather [hbm4b:s30+s2], $0x80, $0x38;
	[tilespmem:$0x18100] =	vst v63  }
0x25: {  	_ =	swait.ge [sflag:s9], $0x80  }
0x26: {  	[sflag:s9] =	ssyncset.done $0x0  }
0x27: {  	[sflag:s9] =	ssyncadd.s32 $0xFFFFFF80  }
0x28: {  	v3 =	vld [tilespmem:$0x0];
	_ =	sdelay $0x4  }
0x29: {  	v4 =	vshll.u32 v3, $0x1  }
0x2a: {  	v3 =	vand.u32 $0x7, v3;
	v4 =	vand.u32 $0xFFFFFFF0, v4  }
0x2b: {  	v3 =	vor.u32 v3, v4  }
0x2c: {  	v4 =	vperm.xlane v3, v0;
	_ =	sdelay $0x1  }
0x2d: {  	v3 =	vperm.xlane v3, v2;
	v4 =	vadd.s32 v1, v4;
	_ =	sdelay $0x1  }
0x2e: {  	v3 =	vadd.s32 v1, v3;
	_ =	sdelay $0x2  }
0x2f: {  	[tilespmem:s10], [sflag:$0x1] =	stream.indirect_vreg.gather [hbm4b:s3+s2], $0x80, v4, vm0, $0xb8;
	[tilespmem:$0x18100] =	vst v63  }
0x30: {  	s1 =	rddreg [dreg:$0x3]  }
0x31: {  	[tilespmem:s1], [sflag:$0x1] =	stream.indirect_vreg.gather [hbm4b:s3+s2], $0x80, v3, vm0, $0xb8;
	[tilespmem:$0x18100] =	vst v63  }
0x32: {  	v3 =	vld [tilespmem:$0x10];
	_ =	sdelay $0x4  }
0x33: {  	v49 =	vshll.u32 v3, $0x1  }
0x34: {  	v3 =	vand.u32 $0x7, v3;
	v4 =	vand.u32 $0xFFFFFFF0, v49  }
0x35: {  	v3 =	vor.u32 v3, v4  }
0x36: {  	v4 =	vperm.xlane v3, v0;
	_ =	sdelay $0x1  }
0x37: {  	v3 =	vperm.xlane v3, v2;
	v4 =	vadd.s32 v1, v4;
	_ =	sdelay $0x1  }
0x38: {  	v3 =	vadd.s32 v1, v3;
	_ =	sdelay $0x1  }
0x39: {  	s1 =	rddreg [dreg:$0x4]  }
0x3a: {  	[tilespmem:s1], [sflag:$0x1] =	stream.indirect_vreg.gather [hbm4b:s3+s2], $0x80, v4, vm0, $0xb8;
	[tilespmem:$0x18100] =	vst v63  }
0x3b: {  	s5 =	rddreg [dreg:$0x5]  }
0x3c: {  	[tilespmem:s5], [sflag:$0x1] =	stream.indirect_vreg.gather [hbm4b:s3+s2], $0x80, v3, vm0, $0xb8;
	[tilespmem:$0x18100] =	vst v63  }
0x3d: {  	v3 =	vld [tilespmem:$0x20];
	_ =	sdelay $0x4  }
0x3e: {  	v50 =	vshll.u32 v3, $0x1  }
0x3f: {  	v3 =	vand.u32 $0x7, v3;
	v4 =	vand.u32 $0xFFFFFFF0, v50  }
0x40: {  	v3 =	vor.u32 v3, v4  }
0x41: {  	v4 =	vperm.xlane v3, v0;
	_ =	sdelay $0x1  }
0x42: {  	v3 =	vperm.xlane v3, v2;
	v4 =	vadd.s32 v1, v4;
	_ =	sdelay $0x1  }
0x43: {  	v3 =	vadd.s32 v1, v3;
	_ =	sdelay $0x1  }
0x44: {  	s1 =	rddreg [dreg:$0x6]  }
0x45: {  	[tilespmem:s1], [sflag:$0x1] =	stream.indirect_vreg.gather [hbm4b:s3+s2], $0x80, v4, vm0, $0xb8;
	[tilespmem:$0x18100] =	vst v63  }
0x46: {  	s5 =	rddreg [dreg:$0x7]  }
0x47: {  	[tilespmem:s5], [sflag:$0x1] =	stream.indirect_vreg.gather [hbm4b:s3+s2], $0x80, v3, vm0, $0xb8;
	[tilespmem:$0x18100] =	vst v63  }
0x48: {  	v3 =	vld [tilespmem:$0x30];
	_ =	sdelay $0x4  }
0x49: {  	v51 =	vshll.u32 v3, $0x1  }
0x4a: {  	v3 =	vand.u32 $0x7, v3;
	v4 =	vand.u32 $0xFFFFFFF0, v51  }
0x4b: {  	v3 =	vor.u32 v3, v4  }
0x4c: {  	v4 =	vperm.xlane v3, v0;
	_ =	sdelay $0x1  }
0x4d: {  	v3 =	vperm.xlane v3, v2;
	v4 =	vadd.s32 v1, v4;
	_ =	sdelay $0x1  }
0x4e: {  	v3 =	vadd.s32 v1, v3;
	_ =	sdelay $0x1  }
0x4f: {  	s1 =	rddreg [dreg:$0x8]  }
0x50: {  	[tilespmem:s1], [sflag:$0x1] =	stream.indirect_vreg.gather [hbm4b:s3+s2], $0x80, v4, vm0, $0xb8;
	[tilespmem:$0x18100] =	vst v63  }
0x51: {  	s5 =	rddreg [dreg:$0x9]  }
0x52: {  	[tilespmem:s5], [sflag:$0x1] =	stream.indirect_vreg.gather [hbm4b:s3+s2], $0x80, v3, vm0, $0xb8;
	[tilespmem:$0x18100] =	vst v63  }
0x53: {  	v3 =	vld [tilespmem:$0x40];
	_ =	sdelay $0x4  }
0x54: {  	v52 =	vshll.u32 v3, $0x1  }
0x55: {  	v3 =	vand.u32 $0x7, v3;
	v4 =	vand.u32 $0xFFFFFFF0, v52  }
0x56: {  	v3 =	vor.u32 v3, v4  }
0x57: {  	v4 =	vperm.xlane v3, v0;
	_ =	sdelay $0x1  }
0x58: {  	v3 =	vperm.xlane v3, v2;
	v4 =	vadd.s32 v1, v4;
	_ =	sdelay $0x1  }
0x59: {  	v3 =	vadd.s32 v1, v3;
	_ =	sdelay $0x1  }
0x5a: {  	s1 =	rddreg [dreg:$0xa]  }
0x5b: {  	[tilespmem:s1], [sflag:$0x1] =	stream.indirect_vreg.gather [hbm4b:s3+s2], $0x80, v4, vm0, $0xb8;
	[tilespmem:$0x18100] =	vst v63  }
0x5c: {  	s5 =	rddreg [dreg:$0xb]  }
0x5d: {  	[tilespmem:s5], [sflag:$0x1] =	stream.indirect_vreg.gather [hbm4b:s3+s2], $0x80, v3, vm0, $0xb8;
	[tilespmem:$0x18100] =	vst v63  }
0x5e: {  	v3 =	vld [tilespmem:$0x50];
	_ =	sdelay $0x4  }
0x5f: {  	v53 =	vshll.u32 v3, $0x1  }
0x60: {  	v3 =	vand.u32 $0x7, v3;
	v4 =	vand.u32 $0xFFFFFFF0, v53  }
0x61: {  	v3 =	vor.u32 v3, v4  }
0x62: {  	v4 =	vperm.xlane v3, v0;
	_ =	sdelay $0x1  }
0x63: {  	v3 =	vperm.xlane v3, v2;
	v4 =	vadd.s32 v1, v4;
	_ =	sdelay $0x1  }
0x64: {  	v3 =	vadd.s32 v1, v3;
	_ =	sdelay $0x1  }
0x65: {  	s1 =	rddreg [dreg:$0xc]  }
0x66: {  	[tilespmem:s1], [sflag:$0x1] =	stream.indirect_vreg.gather [hbm4b:s3+s2], $0x80, v4, vm0, $0xb8;
	[tilespmem:$0x18100] =	vst v63  }
0x67: {  	s5 =	rddreg [dreg:$0xd]  }
0x68: {  	[tilespmem:s5], [sflag:$0x1] =	stream.indirect_vreg.gather [hbm4b:s3+s2], $0x80, v3, vm0, $0xb8;
	[tilespmem:$0x18100] =	vst v63  }
0x69: {  	v3 =	vld [tilespmem:$0x60];
	_ =	sdelay $0x4  }
0x6a: {  	v54 =	vshll.u32 v3, $0x1  }
0x6b: {  	v3 =	vand.u32 $0x7, v3;
	v4 =	vand.u32 $0xFFFFFFF0, v54  }
0x6c: {  	v3 =	vor.u32 v3, v4  }
0x6d: {  	v4 =	vperm.xlane v3, v0;
	_ =	sdelay $0x1  }
0x6e: {  	v3 =	vperm.xlane v3, v2;
	v4 =	vadd.s32 v1, v4;
	_ =	sdelay $0x1  }
0x6f: {  	v3 =	vadd.s32 v1, v3;
	_ =	sdelay $0x1  }
0x70: {  	s1 =	rddreg [dreg:$0xe]  }
0x71: {  	[tilespmem:s1], [sflag:$0x1] =	stream.indirect_vreg.gather [hbm4b:s3+s2], $0x80, v4, vm0, $0xb8;
	[tilespmem:$0x18100] =	vst v63  }
0x72: {  	s5 =	rddreg [dreg:$0xf]  }
0x73: {  	[tilespmem:s5], [sflag:$0x1] =	stream.indirect_vreg.gather [hbm4b:s3+s2], $0x80, v3, vm0, $0xb8;
	[tilespmem:$0x18100] =	vst v63  }
0x74: {  	v3 =	vld [tilespmem:$0x70];
	_ =	sdelay $0x4  }
0x75: {  	v55 =	vshll.u32 v3, $0x1  }
0x76: {  	v3 =	vand.u32 $0x7, v3;
	v4 =	vand.u32 $0xFFFFFFF0, v55  }
0x77: {  	v3 =	vor.u32 v3, v4  }
0x78: {  	v4 =	vperm.xlane v3, v0;
	_ =	sdelay $0x1  }
0x79: {  	v3 =	vperm.xlane v3, v2;
	v4 =	vadd.s32 v1, v4;
	_ =	sdelay $0x1  }
0x7a: {  	v3 =	vadd.s32 v1, v3;
	_ =	sdelay $0x1  }
0x7b: {  	s1 =	rddreg [dreg:$0x10]  }
0x7c: {  	[tilespmem:s1], [sflag:$0x1] =	stream.indirect_vreg.gather [hbm4b:s3+s2], $0x80, v4, vm0, $0xb8;
	[tilespmem:$0x18100] =	vst v63  }
0x7d: {  	s5 =	rddreg [dreg:$0x11]  }
0x7e: {  	[tilespmem:s5], [sflag:$0x1] =	stream.indirect_vreg.gather [hbm4b:s3+s2], $0x80, v3, vm0, $0xb8;
	[tilespmem:$0x18100] =	vst v63  }
0x7f: {  	_ = 	snop  }
0x80: {  	[tilespmem:s12], [sflag:$0x2] =	stream.indirect.gather [hbm4b:s4+s11], $0x80, s2, s11, $0xb8;
	[tilespmem:$0x18100] =	vst v63  }
0x81: {  	_ = 	snop  }
0x82: {  	[tilespmem:s11], [sflag:$0x5] =	stream.linear.gather [hbm4b:s29+s2], $0x80, $0x38;
	[tilespmem:$0x18100] =	vst v63  }
0x83: {  	_ =	swait.ge [sflag:s9], $0x80  }
0x84: {  	[sflag:s9] =	ssyncset.done $0x0  }
0x85: {  	[sflag:s9] =	ssyncadd.s32 $0xFFFFFF80  }
0x86: {  	v3 =	vld [tilespmem:$0x80];
	_ =	sdelay $0x4  }
0x87: {  	v56 =	vshll.u32 v3, $0x1  }
0x88: {  	v3 =	vand.u32 $0x7, v3;
	v4 =	vand.u32 $0xFFFFFFF0, v56  }
0x89: {  	v3 =	vor.u32 v3, v4  }
0x8a: {  	v4 =	vperm.xlane v3, v0;
	_ =	sdelay $0x1  }
0x8b: {  	v3 =	vperm.xlane v3, v2;
	v4 =	vadd.s32 v1, v4;
	_ =	sdelay $0x1  }
0x8c: {  	v3 =	vadd.s32 v1, v3;
	_ =	sdelay $0x2  }
0x8d: {  	[tilespmem:s13], [sflag:$0x3] =	stream.indirect_vreg.gather [hbm4b:s3+s2], $0x80, v4, vm0, $0xb8;
	[tilespmem:$0x18100] =	vst v63  }
0x8e: {  	s5 =	rddreg [dreg:$0x12]  }
0x8f: {  	[tilespmem:s5], [sflag:$0x3] =	stream.indirect_vreg.gather [hbm4b:s3+s2], $0x80, v3, vm0, $0xb8;
	[tilespmem:$0x18100] =	vst v63  }
0x90: {  	v3 =	vld [tilespmem:$0x90];
	_ =	sdelay $0x4  }
0x91: {  	v57 =	vshll.u32 v3, $0x1  }
0x92: {  	v3 =	vand.u32 $0x7, v3;
	v4 =	vand.u32 $0xFFFFFFF0, v57  }
0x93: {  	v3 =	vor.u32 v3, v4  }
0x94: {  	v4 =	vperm.xlane v3, v0;
	_ =	sdelay $0x1  }
0x95: {  	v3 =	vperm.xlane v3, v2;
	v4 =	vadd.s32 v1, v4;
	_ =	sdelay $0x1  }
0x96: {  	v3 =	vadd.s32 v1, v3;
	_ =	sdelay $0x1  }
0x97: {  	s1 =	rddreg [dreg:$0x13]  }
0x98: {  	[tilespmem:s1], [sflag:$0x3] =	stream.indirect_vreg.gather [hbm4b:s3+s2], $0x80, v4, vm0, $0xb8;
	[tilespmem:$0x18100] =	vst v63  }
0x99: {  	s5 =	rddreg [dreg:$0x14]  }
0x9a: {  	[tilespmem:s5], [sflag:$0x3] =	stream.indirect_vreg.gather [hbm4b:s3+s2], $0x80, v3, vm0, $0xb8;
	[tilespmem:$0x18100] =	vst v63  }
0x9b: {  	v3 =	vld [tilespmem:$0xA0];
	_ =	sdelay $0x4  }
0x9c: {  	v58 =	vshll.u32 v3, $0x1  }
0x9d: {  	v3 =	vand.u32 $0x7, v3;
	v4 =	vand.u32 $0xFFFFFFF0, v58  }
0x9e: {  	v3 =	vor.u32 v3, v4  }
0x9f: {  	v4 =	vperm.xlane v3, v0;
	_ =	sdelay $0x1  }
0xa0: {  	v3 =	vperm.xlane v3, v2;
	v4 =	vadd.s32 v1, v4;
	_ =	sdelay $0x1  }
0xa1: {  	v3 =	vadd.s32 v1, v3;
	_ =	sdelay $0x1  }
0xa2: {  	s1 =	rddreg [dreg:$0x15]  }
0xa3: {  	[tilespmem:s1], [sflag:$0x3] =	stream.indirect_vreg.gather [hbm4b:s3+s2], $0x80, v4, vm0, $0xb8;
	[tilespmem:$0x18100] =	vst v63  }
0xa4: {  	s5 =	rddreg [dreg:$0x16]  }
0xa5: {  	[tilespmem:s5], [sflag:$0x3] =	stream.indirect_vreg.gather [hbm4b:s3+s2], $0x80, v3, vm0, $0xb8;
	[tilespmem:$0x18100] =	vst v63  }
0xa6: {  	v3 =	vld [tilespmem:$0xB0];
	_ =	sdelay $0x4  }
0xa7: {  	v59 =	vshll.u32 v3, $0x1  }
0xa8: {  	v3 =	vand.u32 $0x7, v3;
	v4 =	vand.u32 $0xFFFFFFF0, v59  }
0xa9: {  	v3 =	vor.u32 v3, v4  }
0xaa: {  	v4 =	vperm.xlane v3, v0;
	_ =	sdelay $0x1  }
0xab: {  	v3 =	vperm.xlane v3, v2;
	v4 =	vadd.s32 v1, v4;
	_ =	sdelay $0x1  }
0xac: {  	v3 =	vadd.s32 v1, v3;
	_ =	sdelay $0x1  }
0xad: {  	s1 =	rddreg [dreg:$0x17]  }
0xae: {  	[tilespmem:s1], [sflag:$0x3] =	stream.indirect_vreg.gather [hbm4b:s3+s2], $0x80, v4, vm0, $0xb8;
	[tilespmem:$0x18100] =	vst v63  }
0xaf: {  	s5 =	rddreg [dreg:$0x18]  }
0xb0: {  	[tilespmem:s5], [sflag:$0x3] =	stream.indirect_vreg.gather [hbm4b:s3+s2], $0x80, v3, vm0, $0xb8;
	[tilespmem:$0x18100] =	vst v63  }
0xb1: {  	v3 =	vld [tilespmem:$0xC0];
	_ =	sdelay $0x4  }
0xb2: {  	v60 =	vshll.u32 v3, $0x1  }
0xb3: {  	v3 =	vand.u32 $0x7, v3;
	v4 =	vand.u32 $0xFFFFFFF0, v60  }
0xb4: {  	v3 =	vor.u32 v3, v4  }
0xb5: {  	v4 =	vperm.xlane v3, v0;
	_ =	sdelay $0x1  }
0xb6: {  	v3 =	vperm.xlane v3, v2;
	v4 =	vadd.s32 v1, v4;
	_ =	sdelay $0x1  }
0xb7: {  	v3 =	vadd.s32 v1, v3;
	_ =	sdelay $0x2  }
0xb8: {  	[tilespmem:s14], [sflag:$0x3] =	stream.indirect_vreg.gather [hbm4b:s3+s2], $0x80, v4, vm0, $0xb8;
	[tilespmem:$0x18100] =	vst v63  }
0xb9: {  	_ = 	snop  }
0xba: {  	[tilespmem:s15], [sflag:$0x3] =	stream.indirect_vreg.gather [hbm4b:s3+s2], $0x80, v3, vm0, $0xb8;
	[tilespmem:$0x18100] =	vst v63  }
0xbb: {  	v3 =	vld [tilespmem:$0xD0];
	_ =	sdelay $0x4  }
0xbc: {  	v61 =	vshll.u32 v3, $0x1  }
0xbd: {  	v3 =	vand.u32 $0x7, v3;
	v4 =	vand.u32 $0xFFFFFFF0, v61  }
0xbe: {  	v3 =	vor.u32 v3, v4  }
0xbf: {  	v4 =	vperm.xlane v3, v0;
	_ =	sdelay $0x1  }
0xc0: {  	v3 =	vperm.xlane v3, v2;
	v4 =	vadd.s32 v1, v4;
	_ =	sdelay $0x1  }
0xc1: {  	v3 =	vadd.s32 v1, v3;
	_ =	sdelay $0x2  }
0xc2: {  	[tilespmem:s16], [sflag:$0x3] =	stream.indirect_vreg.gather [hbm4b:s3+s2], $0x80, v4, vm0, $0xb8;
	[tilespmem:$0x18100] =	vst v63  }
0xc3: {  	_ = 	snop  }
0xc4: {  	[tilespmem:s17], [sflag:$0x3] =	stream.indirect_vreg.gather [hbm4b:s3+s2], $0x80, v3, vm0, $0xb8;
	[tilespmem:$0x18100] =	vst v63  }
0xc5: {  	v3 =	vld [tilespmem:$0xE0];
	_ =	sdelay $0x4  }
0xc6: {  	v62 =	vshll.u32 v3, $0x1  }
0xc7: {  	v3 =	vand.u32 $0x7, v3;
	v4 =	vand.u32 $0xFFFFFFF0, v62  }
0xc8: {  	v3 =	vor.u32 v3, v4  }
0xc9: {  	v4 =	vperm.xlane v3, v0;
	_ =	sdelay $0x1  }
0xca: {  	v3 =	vperm.xlane v3, v2;
	v4 =	vadd.s32 v1, v4;
	_ =	sdelay $0x1  }
0xcb: {  	v3 =	vadd.s32 v1, v3;
	_ =	sdelay $0x2  }
0xcc: {  	[tilespmem:s18], [sflag:$0x3] =	stream.indirect_vreg.gather [hbm4b:s3+s2], $0x80, v4, vm0, $0xb8;
	[tilespmem:$0x18100] =	vst v63  }
0xcd: {  	_ = 	snop  }
0xce: {  	[tilespmem:s19], [sflag:$0x3] =	stream.indirect_vreg.gather [hbm4b:s3+s2], $0x80, v3, vm0, $0xb8;
	[tilespmem:$0x18100] =	vst v63  }
0xcf: {  	v3 =	vld [tilespmem:$0xF0];
	_ =	sdelay $0x4  }
0xd0: {  	v63 =	vshll.u32 v3, $0x1  }
0xd1: {  	v3 =	vand.u32 $0x7, v3;
	v4 =	vand.u32 $0xFFFFFFF0, v63  }
0xd2: {  	v3 =	vor.u32 v3, v4  }
0xd3: {  	v4 =	vperm.xlane v3, v0;
	_ =	sdelay $0x1  }
0xd4: {  	v3 =	vperm.xlane v3, v2;
	v4 =	vadd.s32 v1, v4;
	_ =	sdelay $0x1  }
0xd5: {  	v3 =	vadd.s32 v1, v3;
	_ =	sdelay $0x2  }
0xd6: {  	[tilespmem:s20], [sflag:$0x3] =	stream.indirect_vreg.gather [hbm4b:s3+s2], $0x80, v4, vm0, $0xb8;
	[tilespmem:$0x18100] =	vst v63  }
0xd7: {  	_ = 	snop  }
0xd8: {  	[tilespmem:s21], [sflag:$0x3] =	stream.indirect_vreg.gather [hbm4b:s3+s2], $0x80, v3, vm0, $0xb8;
	[tilespmem:$0x18100] =	vst v63  }
0xd9: {  	_ = 	snop  }
0xda: {  	[tilespmem:s22], [sflag:$0x4] =	stream.indirect.gather [hbm4b:s4+s11], $0x80, s11, s11, $0xb8;
	[tilespmem:$0x18100] =	vst v63  }
0xdb: {  	_ =	swait.ge [sflag:s23], $0x8000  }
0xdc: {  	[sflag:s23] =	ssyncset.done $0x0  }
0xdd: {  	[sflag:s23] =	ssyncadd.s32 $0xFFFF8000  }
0xde: {  	_ =	swait.ge [sflag:s24], $0x4000  }
0xdf: {  	[sflag:s24] =	ssyncset.done $0x0  }
0xe0: {  	[sflag:s24] =	ssyncadd.s32 $0xFFFFC000  }
0xe1: {  	[hbm4b:s31+s2] =	stream.linear.scatter [tilespmem:s10], [sflag:$0x5], $0x8000, $0x38;
	[tilespmem:$0x18100] =	vst v63  }
0xe2: {  	_ =	swait.ge [sflag:s9], $0x8000  }
0xe3: {  	s5 =	rddreg [dreg:$0x2];
	[sflag:s9] =	ssyncset.done $0x0  }
0xe4: {  	[sflag:s9] =	ssyncadd.s32 $0xFFFF8000;
	s1 =	sadd.s32 s0, s5  }
0xe5: {  	[hbm4b:s1+s2] =	stream.linear.scatter [tilespmem:s12], [sflag:$0x5], $0x4000, $0x38;
	[tilespmem:$0x18100] =	vst v63  }
0xe6: {  	_ =	swait.ge [sflag:s9], $0x4000  }
0xe7: {  	[sflag:s9] =	ssyncset.done $0x0  }
0xe8: {  	[sflag:s9] =	ssyncadd.s32 $0xFFFFC000  }
0xe9: {  	_ =	swait.ge [sflag:s25], $0x8000  }
0xea: {  	[sflag:s25] =	ssyncset.done $0x0  }
0xeb: {  	[sflag:s25] =	ssyncadd.s32 $0xFFFF8000  }
0xec: {  	_ =	swait.ge [sflag:s26], $0x4000  }
0xed: {  	[sflag:s26] =	ssyncset.done $0x0  }
0xee: {  	s5 =	sadd.s32 $0x1000, s31;
	[sflag:s26] =	ssyncadd.s32 $0xFFFFC000  }
0xef: {  	[hbm4b:s5+s2] =	stream.linear.scatter [tilespmem:s13], [sflag:$0x5], $0x8000, $0x38;
	[tilespmem:$0x18100] =	vst v63  }
0xf0: {  	_ =	swait.ge [sflag:s9], $0x8000  }
0xf1: {  	p0 =	sne.s32 s0, $0x7000;
	[sflag:s9] =	ssyncset.done $0x0  }
.Ltmp0:
0xf2: {  	s1 =	sadd.s32 $0x800, s1;
	[sflag:s9] =	ssyncadd.s32 $0xFFFF8000;
	(pc) =	sbr.rel @p0 .LBB2_2-.Ltmp0, $4  }
0xf3: {  	[hbm4b:s1+s2] =	stream.linear.scatter [tilespmem:s22], [sflag:$0x5], $0x4000, $0x38;
	[tilespmem:$0x18100] =	vst v63  }
0xf4: {  	_ =	swait.ge [sflag:s9], $0x4000  }
0xf5: {  	s30 =	sadd.s32 $0x20, s30;
	s29 =	sadd.s32 $0x20, s29;
	[sflag:s9] =	ssyncset.done $0x0  }
0xf6: {  	s31 =	sadd.s32 $0x2000, s31;
	s0 =	sadd.s32 $0x1000, s0;
	[sflag:s9] =	ssyncadd.s32 $0xFFFFC000  }
0xf7: {  	s28 =	sadd.s32 $0x1, s28;
	s0 =	rddreg [dreg:$0x19]  }
0xf8: {  	p0 =	sne.s32 s28, s0  }
.Ltmp1:
0xf9: {  	_ = 	snop;
	(pc) =	sbr.rel @p0 .LBB2_1-.Ltmp1, $1  }
0xfa: {  	_ =	sdelay $0x3  }
0xfb: {  	_ =	sfence.sel $0x180000  }
0xfc: {  	[bflag:$0x0] =	sbarrier.arrive $0xFFFF  }
0xfd: {  	_ =	strace $0x9000004A  }
0xfe: {  	s0 =	stileid.u32;
	[bflag:$0x2] =	sbarrier.arrive $0xFFFF  }
0xff: {  	p0 =	sne.s32 s0, $0x0;
	s0 =	rddreg [dreg:$0x1]  }
0x100: {  	s0 =	sadd.s32 @!p0 $0x100000, s0  }
0x101: {  	[sflag:s0] =	ssyncadd.tile.s32 @!p0 $0x1;
	_ =	shalt  }
.Lfunc_end2:
_tile_overlayer_lowered:
.L_overlay_start_2:
0x102: {  	(tag) =	ssettag $0x2  }
0x103: {  	s0 =	rddreg [dreg:$0x0];
	s2 =	stileid.u32  }
0x104: {  	s1 =	rddreg [dreg:$0x1];
	p0 =	sne.s32 s2, $0x0  }
0x105: {  	s3 =	rddreg [dreg:$0x2];
	[bflag:$0x3] =	sbarrier.arrive $0xFFFF;
	s2 =	simm.s32 @!p0 $0x1C05  }
0x106: {  	[timem:s3], [sflag:s2] =	dma.local @!p0 [hbm:s0], s1  }
0x107: {  	s0 =	simm.s32 @!p0 $0x5  }
0x108: {  	_ =	swait.ge @!p0 [sflag:s0], s1  }
0x109: {  	s1 =	ssub.s32 @!p0 $0x0, s1;
	[sflag:s0] =	ssyncset.done @!p0 $0x0  }
0x10a: {  	[sflag:s0] =	ssyncadd.s32 @!p0 s1  }
0x10b: {  	[bflag:$0x3] =	sbarrier.arrive $0xFFFF  }
0x10c: {  	_ =	shalt  }

// kernel: kernel.8.cloned.1.call-start
scs
__scs_entry_jumppad:
0x0: {  	(pc) =	sbr.rel $0x88, $3  }
0x1: {  	(tag) =	ssettag $0x0;
	lr =	simm.s32 $0x1  }
0x2: {  	[smem:$0x3F90] =	sst lr;
	_ =	strace $0xD0000000  }
0x3: {  	_ = 	snop  }
0x4: {  	_ = 	snop  }
0x5: {  	_ = 	snop  }
0x6: {  	_ = 	snop  }
0x7: {  	_ = 	snop  }
__scs_overlays_trampoline_lowered:
0x8: {  	[smem:$0x3F9F] =	sst s0  }
0x9: {  	[smem:$0x3FA0] =	sst s1  }
0xa: {  	[smem:$0x3FA1] =	sst s2  }
0xb: {  	[smem:$0x3FA2] =	sst s3  }
0xc: {  	[smem:$0x3FA3] =	sst s4  }
0xd: {  	[smem:$0x3FA4] =	sst s5  }
0xe: {  	[smem:$0x3FA5] =	sst s6  }
0xf: {  	[smem:$0x3FA6] =	sst s7  }
0x10: {  	[smem:$0x3FA7] =	sst s8  }
0x11: {  	[smem:$0x3FA8] =	sst s9;
	s0 =	simm.s32 @!p0 $0x0  }
0x12: {  	s1 =	sld [smem:$0x3F8E];
	s0 =	simm.s32 @p0 $0x1  }
0x13: {  	[smem:$0x3FA9] =	sst s0;
	s0 =	simm.s32 @!p1 $0x0  }
0x14: {  	s2 =	sld [smem:$0x3F8D];
	s0 =	simm.s32 @p1 $0x1  }
0x15: {  	[smem:$0x3FAA] =	sst s0;
	s0 =	simm.s32 @!p2 $0x0  }
0x16: {  	s3 =	sld [smem:$0x3FDB];
	s0 =	simm.s32 @p2 $0x1  }
0x17: {  	s4 =	simm.s32 $0x1BF5;
	[smem:$0x3FAC] =	sst s0  }
0x18: {  	s0 =	sld [smem:$0x3F8F];
	_ =	swait.ge [sflag:s4], $0x0  }
0x19: {  	s7 =	sld [smem:$0x3F90]  }
0x1a: {  	s8 =	sadd.s32 $0xFFFFE003, lr  }
0x1b: {  	s9 =	sadd.s32 $0xFFFFFEF7, lr;
	s5 =	simm.s32 $0xFFFFFFFF;
	p2 =	slt.u32 s8, $0xFFFFF086  }
0x1c: {  	p1 =	slt.u32 s9, $0xF7A;
	s5 =	simm.s32 @!p2 $0x0  }
0x1d: {  	s5 =	simm.s32 @p1 $0x1;
	p0 =	seq.s32 s7, s2  }
0x1e: {  	s7 =	smul.u32 @!p0 $0xF7A, s2;
	p2 =	seq.s32 @!p0 s5, $0x0  }
0x1f: {  	s9 =	smul.u32 $0xF7A, s1;
	s8 =	simm.s32 @!p0 $0x1BF5;
	p2 =	por !p2, p0  }
0x20: {  	[sflag:s8] =	ssyncset.s32 @!p0 $0xFFFFF086;
	s6 =	sadd.s32 @!p0 s3, s7;
	s7 =	simm.s32 @!p0 $0x108  }
0x21: {  	s3 =	sadd.s32 s3, s9;
	s6 =	sadd.s32 @!p0 $0x88, s6;
	s7 =	simm.s32 @p2 $0x1082  }
0x22: {  	[simem:s7], [sflag:s8] =	dma.local @!p0 [hbm:s6], $0xF7A  }
0x23: {  	s9 =	sor.u32 $0xD0000000, s2;
	s6 =	simm.s32 $0x108;
	_ =	swait.ge @!p0 [sflag:s8], $0x0  }
0x24: {  	s3 =	sadd.s32 $0x88, s3;
	s6 =	simm.s32 @!p1 $0x1082;
	[sflag:s4] =	ssyncset.s32 $0xFFFFF086  }
0x25: {  	[simem:s6], [sflag:s4] =	dma.local [hbm:s3], $0xF7A  }
0x26: {  	[smem:$0x3F90] =	sst s1;
	(tag) =	ssettag s2;
	_ =	strace s9  }
0x27: {  	s1 =	sld [smem:$0x3FA0]  }
0x28: {  	s2 =	sld [smem:$0x3FA1]  }
0x29: {  	s4 =	sld [smem:$0x3FA3]  }
0x2a: {  	p0 =	seq.s32 s5, $0x0;
	s5 =	sld [smem:$0x3FA4]  }
0x2b: {  	s6 =	sld [smem:$0x3FA5]  }
0x2c: {  	s7 =	sld [smem:$0x3FA6]  }
0x2d: {  	s3 =	simm.s32 $0x108;
	s8 =	sld [smem:$0x3FA7]  }
0x2e: {  	s3 =	simm.s32 @!p0 $0x1082;
	s9 =	sld [smem:$0x3FA8]  }
0x2f: {  	lr =	sadd.s32 s0, s3;
	s0 =	sld [smem:$0x3F9F]  }
0x30: {  	s3 =	sld [smem:$0x3FA2]  }
0x31: {  	[smem:$0x3FAB] =	sst s10  }
0x32: {  	s10 =	sld [smem:$0x3FA9];
	_ =	sdelay $0x3  }
0x33: {  	p0 =	seq.s32 s10, $0x1;
	s10 =	sld [smem:$0x3FAB];
	_ =	sdelay $0x3  }
0x34: {  	[smem:$0x3FAB] =	sst s10  }
0x35: {  	s10 =	sld [smem:$0x3FAA];
	_ =	sdelay $0x3  }
0x36: {  	p1 =	seq.s32 s10, $0x1;
	s10 =	sld [smem:$0x3FAB];
	_ =	sdelay $0x3  }
0x37: {  	[smem:$0x3FAB] =	sst s10  }
0x38: {  	s10 =	sld [smem:$0x3FAC]  }
0x39: {  	_ = 	snop;
	(pc) =	sbr.ind lr, $3  }
0x3a: {  	_ = 	snop  }
0x3b: {  	_ = 	snop  }
0x3c: {  	p2 =	seq.s32 s10, $0x1;
	s10 =	sld [smem:$0x3FAB]  }
0x3d: {  	_ =	shalt  }
0x3e: {  	_ =	shalt  }
0x3f: {  	_ =	shalt  }
0x40: {  	_ =	shalt  }
0x41: {  	_ =	shalt  }
0x42: {  	_ =	shalt  }
0x43: {  	_ =	shalt  }
0x44: {  	_ =	shalt  }
0x45: {  	_ =	shalt  }
0x46: {  	_ =	shalt  }
0x47: {  	_ =	shalt  }
0x48: {  	_ =	shalt  }
0x49: {  	_ =	shalt  }
0x4a: {  	_ =	shalt  }
0x4b: {  	_ =	shalt  }
0x4c: {  	_ =	shalt  }
0x4d: {  	_ =	shalt  }
0x4e: {  	_ =	shalt  }
0x4f: {  	_ =	shalt  }
0x50: {  	_ =	shalt  }
0x51: {  	_ =	shalt  }
0x52: {  	_ =	shalt  }
0x53: {  	_ =	shalt  }
0x54: {  	_ =	shalt  }
0x55: {  	_ =	shalt  }
0x56: {  	_ =	shalt  }
0x57: {  	_ =	shalt  }
0x58: {  	_ =	shalt  }
0x59: {  	_ =	shalt  }
0x5a: {  	_ =	shalt  }
0x5b: {  	_ =	shalt  }
0x5c: {  	_ =	shalt  }
0x5d: {  	_ =	shalt  }
0x5e: {  	_ =	shalt  }
0x5f: {  	_ =	shalt  }
0x60: {  	_ =	shalt  }
0x61: {  	_ =	shalt  }
0x62: {  	_ =	shalt  }
0x63: {  	_ =	shalt  }
0x64: {  	_ =	shalt  }
0x65: {  	_ =	shalt  }
0x66: {  	_ =	shalt  }
0x67: {  	_ =	shalt  }
0x68: {  	_ =	shalt  }
0x69: {  	_ =	shalt  }
0x6a: {  	_ =	shalt  }
0x6b: {  	_ =	shalt  }
0x6c: {  	_ =	shalt  }
0x6d: {  	_ =	shalt  }
0x6e: {  	_ =	shalt  }
0x6f: {  	_ =	shalt  }
0x70: {  	_ =	shalt  }
0x71: {  	_ =	shalt  }
0x72: {  	_ =	shalt  }
0x73: {  	_ =	shalt  }
0x74: {  	_ =	shalt  }
0x75: {  	_ =	shalt  }
0x76: {  	_ =	shalt  }
0x77: {  	_ =	shalt  }
0x78: {  	_ =	shalt  }
0x79: {  	_ =	shalt  }
0x7a: {  	_ =	shalt  }
0x7b: {  	_ =	shalt  }
0x7c: {  	_ =	shalt  }
0x7d: {  	_ =	shalt  }
0x7e: {  	_ =	shalt  }
0x7f: {  	_ =	shalt  }
0x80: {  	_ =	shalt  }
0x81: {  	_ =	shalt  }
0x82: {  	_ =	shalt  }
0x83: {  	_ =	shalt  }
0x84: {  	_ =	shalt  }
0x85: {  	_ =	shalt  }
0x86: {  	_ =	shalt  }
0x87: {  	_ =	shalt  }
.Lfunc_end0:
.L_simem_size_0:
called_computation_lowered:
.L_overlay_start_0:
0x88: {  	s2 =	sld [smem:$0x3FD9]  }
0x89: {  	s3 =	sld [smem:$0x3FFE];
	_ =	sdelay $0x1  }
0x8a: {  	s1 =	srdreg.scid  }
0x8b: {  	s0 =	sand.u32 $0x1, s1  }
0x8c: {  	s14 =	sshll.u32 s0, $0xA;
	s2 =	sadd.s32 s3, s2  }
0x8d: {  	s2 =	sadd.s32 s2, s14  }
0x8e: {  	[smem:$0x3FB7] =	sst s2  }
0x8f: {  	_ = 	snop  }
0x90: {  	s2 =	sld [smem:$0x3FD0];
	_ =	sdelay $0x2  }
0x91: {  	s15 =	simm.s32 $0xB;
	s4 =	simm.s32 $0x10  }
0x92: {  	[smem:s4], [sflag:s15] =	dma.local [hbm:s2], $0x1  }
0x93: {  	_ =	swait.eq [sflag:s15], $0x1  }
0x94: {  	[sflag:s15] =	ssyncset.done $0x0  }
0x95: {  	s16 =	sld [smem:$0x10];
	[sflag:s15] =	ssyncadd.s32 $0xFFFFFFFF  }
0x96: {  	s17 =	sld [smem:$0x11];
	(tm) =	ssettm $0x1  }
0x97: {  	s18 =	sld [smem:$0x3FFB];
	_ =	sdelay $0x3  }
0x98: {  	_ =	strace s18  }
0x99: {  	s4 =	sld [smem:$0x3FFC];
	_ =	sdelay $0x3  }
0x9a: {  	_ =	strace s4  }
0x9b: {  	s4 =	sld [smem:$0x3FFD];
	_ =	sdelay $0x3  }
0x9c: {  	_ =	strace s4  }
0x9d: {  	_ =	strace $0x8FFFFFFF  }
0x9e: {  	s19 =	sld [smem:$0x3FDB];
	_ =	sdelay $0x1  }
0x9f: {  	s5 =	simm.s32 $_scs_section_size  }
0xa0: {  	s6 =	simm.s32 $_size__tile_overlayer_lowered;
	s7 =	simm.s32 $_tile_overlayer_lowered  }
0xa1: {  	s22 =	simm.s32 $0x1BFF;
	s21 =	sshll.u32 s7, $0x1;
	s4 =	sadd.s32 s5, s19  }
0xa2: {  	s8 =	simm.s32 $0x0;
	s20 =	sshll.u32 s6, $0x1;
	s6 =	sadd.s32 s21, s4  }
0xa3: {  	[timem:s8], [sflag:s22] =	dma.local [hbm:s6], s20  }
0xa4: {  	_ =	swait.ge [sflag:s22], s20  }
0xa5: {  	s5 =	ssub.s32 $0x0, s20;
	[sflag:s22] =	ssyncset.done $0x0  }
0xa6: {  	[sflag:s22] =	ssyncadd.s32 s5;
	_ =	sdelay $0x1  }
0xa7: {  	s23 =	simm.s32 $0x1B8B  }
0xa8: {  	_ =	swait.ge [sflag:s23], $0x1  }
0xa9: {  	[sflag:s23] =	ssyncset.done $0x0  }
0xaa: {  	s25 =	simm.s32 $0x1B8E;
	s24 =	sld [smem:$0x3FFE];
	[sflag:s23] =	ssyncadd.s32 $0xFFFFFFFF  }
0xab: {  	s26 =	simm.s32 $execute0_lowered;
	[smem:$0x3FD2] =	sst s25  }
0xac: {  	s6 =	sshll.u32 s26, $0x1;
	_ =	strace $0x80000046;
	[dreg:$0x1] =	wrdreg $0xFFFFFFFF  }
0xad: {  	s28 =	simm.s32 $_size_execute0_lowered;
	s4 =	sadd.s32 s4, s6;
	[dreg:$0x0] =	wrdreg $0x0  }
0xae: {  	s6 =	sshll.u32 s28, $0x1;
	[dreg:$0x2] =	wrdreg s4  }
0xaf: {  	[dreg:$0x3] =	wrdreg s6  }
0xb0: {  	[dreg:$0x4] =	wrdreg $0xC0  }
0xb1: {  	_ =	task [dreg:s8], $0x5FFFF  }
0xb2: {  	[dreg:$0x1] =	wrdreg $0xFFFFFFFF  }
0xb3: {  	[dreg:$0x0] =	wrdreg $0x60  }
0xb4: {  	[dreg:$0x2] =	wrdreg s16  }
0xb5: {  	[dreg:$0x3] =	wrdreg s17  }
0xb6: {  	[dreg:$0x4] =	wrdreg s24  }
0xb7: {  	[dreg:$0x5] =	wrdreg $0x9  }
0xb8: {  	_ =	task.clear_ibuf [dreg:s8], $0x6FFFF;
	_ =	strace $0x90000046  }
0xb9: {  	s29 =	simm.s32 $0x9;
	_ =	strace $0x80000048  }
0xba: {  	_ =	swait.ge [sflag:s29], $0x1  }
0xbb: {  	[sflag:s29] =	ssyncadd.s32 $0xFFFFFFFF  }
0xbc: {  	_ =	strace $0x90000048  }
0xbd: {  	_ =	sfence  }
0xbe: {  	s30 =	sld [smem:$0x0];
	_ =	sdelay $0x2  }
0xbf: {  	s31 =	sshll.u32 s1, $0xD;
	s1 =	sshrl.u32 s1, $0x2  }
0xc0: {  	s3 =	sand.u32 $0x4000, s31;
	s1 =	sadd.s32 s1, s30  }
0xc1: {  	s0 =	sor.u32 s3, s0;
	s1 =	sshll.u32 s1, $0x11  }
0xc2: {  	s0 =	sor.u32 s1, s0  }
0xc3: {  	s0 =	sadd.s32 $0x8F2B, s0  }
0xc4: {  	[sflag:s0] =	ssyncadd.remote.s32 $0x1  }
0xc5: {  	_ =	sfence.sel $0xFFFF  }
0xc6: {  	[dreg:$0x0] =	wrdreg $0xFFFFFFFF;
	(pc) =	sbr.abs _section_cstart, $3  }
0xc7: {  	[dreg:$0x1] =	wrdreg $0xFFFFFFFF  }
0xc8: {  	_ =	task.clear_ibuf [dreg:s8], $0x2FFFF;
	_ =	strace $0x9FFFFFFF  }
0xc9: {  	(tm) =	ssettm $0x7FFFFFFF  }
tec
execute0_lowered:
.L_overlay_start_1:
0x0: {  	(tag) =	ssettag $0x1  }
0x1: {  	s2 =	rddreg [dreg:$0x0]  }
0x2: {  	s3 =	rddreg [dreg:$0x1]  }
0x3: {  	s0 =	rddreg [dreg:$0x2];
	s1 =	stileid.u32  }
0x4: {  	s5 =	srdreg.scid;
	s4 =	simm.s32 $0x0;
	s23 =	simm.s32 $0x900  }
0x5: {  	s24 =	simm.s32 $0x1100;
	s26 =	simm.s32 $0x1900;
	[smem:$0x7FF] =	sst s4  }
0x6: {  	s29 =	simm.s32 $0x2100;
	_ =	strace $0x80000047;
	[dreg:$0x5] =	wrdreg s23  }
0x7: {  	s30 =	simm.s32 $0x2900;
	s12 =	simm.s32 $0x3100;
	[dreg:$0x6] =	wrdreg s24  }
0x8: {  	s11 =	simm.s32 $0x3900;
	s14 =	simm.s32 $0x4100;
	[dreg:$0x7] =	wrdreg s26  }
0x9: {  	s15 =	simm.s32 $0x4900;
	s16 =	simm.s32 $0x5100;
	[dreg:$0x8] =	wrdreg s29  }
0xa: {  	s17 =	simm.s32 $0x5900;
	s18 =	simm.s32 $0x6100;
	[dreg:$0x9] =	wrdreg s30  }
0xb: {  	s28 =	simm.s32 $0x0;
	s6 =	sshll.u32 s1, $0x10;
	[dreg:$0xa] =	wrdreg s12  }
0xc: {  	s7 =	sand.u32 $0x1, s5;
	s8 =	sadd.s32 $0x4200, s0;
	[dreg:$0xb] =	wrdreg s11  }
0xd: {  	s22 =	sshll.u32 s1, $0x11;
	s31 =	sshll.u32 s1, $0xC;
	[dreg:$0xc] =	wrdreg s14  }
0xe: {  	s20 =	sadd.s32 s6, s0;
	s21 =	sshll.u32 s7, $0xF;
	[dreg:$0xd] =	wrdreg s15  }
0xf: {  	s0 =	sadd.s32 s22, s0;
	s25 =	ssub.s32 $0x2, s7;
	[dreg:$0xe] =	wrdreg s16  }
0x10: {  	s10 =	sshll.u32 s7, $0xB;
	s7 =	sshll.u32 s7, $0x10;
	[dreg:$0xf] =	wrdreg s17  }
0x11: {  	[dreg:$0x10] =	wrdreg s18;
	s22 =	simm.s32 $0x7900;
	s23 =	simm.s32 $0xC900  }
0x12: {  	s24 =	simm.s32 $0xD100;
	s26 =	simm.s32 $0xE100;
	s11 =	simm.s32 $0x80  }
0x13: {  	s29 =	simm.s32 $0xE900;
	s12 =	simm.s32 $0x8100;
	s30 =	simm.s32 $0xF100  }
0x14: {  	s14 =	simm.s32 $0x10100;
	s15 =	simm.s32 $0x10900;
	[dreg:$0x13] =	wrdreg s22  }
0x15: {  	s16 =	simm.s32 $0x11100;
	s17 =	simm.s32 $0x11900;
	[dreg:$0x14] =	wrdreg s23  }
0x16: {  	s18 =	simm.s32 $0x12100;
	s5 =	sadd.s32 s21, s20;
	[dreg:$0x15] =	wrdreg s24  }
0x17: {  	s9 =	sshrl.u32 s25, $0x1;
	s0 =	sadd.s32 s7, s0;
	[dreg:$0x17] =	wrdreg s26  }
0x18: {  	s20 =	simm.s32 $0x6900;
	s21 =	simm.s32 $0x7100;
	[dreg:$0x18] =	wrdreg s29  }
0x19: {  	[dreg:$0x19] =	wrdreg s30;
	s22 =	simm.s32 $0x14100;
	s23 =	simm.s32 $0x1  }
0x1a: {  	s24 =	simm.s32 $0x2;
	s26 =	simm.s32 $0x4;
	s5 =	sadd.s32 $0x216200, s5  }
0x1b: {  	s6 =	ssub.s32 s25, s9;
	s9 =	sor.u32 s10, s31;
	[dreg:$0x11] =	wrdreg s20  }
0x1c: {  	[dreg:$0x12] =	wrdreg s21;
	s25 =	simm.s32 $0xD900;
	s10 =	simm.s32 $0x100  }
0x1d: {  	s31 =	simm.s32 $0xF900;
	s20 =	simm.s32 $0x13100;
	[dreg:$0x4] =	wrdreg s5  }
0x1e: {  	s21 =	simm.s32 $0x13900;
	s13 =	smax.u32 s6, $0x1;
	[dreg:$0x16] =	wrdreg s25  }
0x1f: {  	s6 =	sadd.s32 $0x16200, s0;
	s19 =	sshrl.u32 s9, $0x3;
	[dreg:$0x1a] =	wrdreg s31  }
0x20: {  	v2 =	vlaneseq.u32;
	s9 =	sor.u32 $0x80, s9;
	s25 =	simm.s32 $0x3;
	[dreg:$0x1b] =	wrdreg s13  }
0x21: {  	vm0 =	vmmov $0xffff;
	v1 =	vshrl.u32 v2, $0x3;
	s7 =	sadd.s32 s19, s8;
	s9 =	sshrl.u32 s9, $0x3;
	s13 =	simm.s32 $0xC100  }
0x22: {  	v0 =	vand.u32 $0x7, v2;
	v2 =	vor.u32 $0x8, v2;
	v1 =	vmul.u32 $0x8, v1;
	s19 =	simm.s32 $0x12900;
	s8 =	sadd.s32 s9, s8;
	s9 =	simm.s32 $0x5  }
.LBB2_1:
0x23: {  	s29 =	smov.u32 s8  }
0x24: {  	s30 =	smov.u32 s7;
	s31 =	smov.u32 s6;
	s0 =	simm.s32 $0x0  }
.LBB2_2:
0x25: {  	[tilespmem:s4], [sflag:$0x5] =	stream.linear.gather [hbm4b:s30+s4], $0x80, $0x38;
	[tilespmem:$0x18100] =	vst v63  }
0x26: {  	_ =	swait.ge [sflag:s9], $0x80  }
0x27: {  	[sflag:s9] =	ssyncset.done $0x0  }
0x28: {  	[sflag:s9] =	ssyncadd.s32 $0xFFFFFF80  }
0x29: {  	v3 =	vld [tilespmem:$0x0];
	_ =	sdelay $0x4  }
0x2a: {  	v4 =	vshll.u32 v3, $0x1  }
0x2b: {  	v3 =	vand.u32 $0x7, v3;
	v4 =	vand.u32 $0xFFFFFFF0, v4  }
0x2c: {  	v3 =	vor.u32 v3, v4  }
0x2d: {  	v4 =	vperm.xlane v3, v0;
	_ =	sdelay $0x1  }
0x2e: {  	v3 =	vperm.xlane v3, v2;
	v4 =	vadd.s32 v1, v4;
	_ =	sdelay $0x1  }
0x2f: {  	v3 =	vadd.s32 v1, v3;
	_ =	sdelay $0x2  }
0x30: {  	[tilespmem:s10], [sflag:$0x1] =	stream.indirect_vreg.gather [hbm4b:s2+s4], $0x80, v4, vm0, $0xb8;
	[tilespmem:$0x18100] =	vst v63  }
0x31: {  	s1 =	rddreg [dreg:$0x5]  }
0x32: {  	[tilespmem:s1], [sflag:$0x1] =	stream.indirect_vreg.gather [hbm4b:s2+s4], $0x80, v3, vm0, $0xb8;
	[tilespmem:$0x18100] =	vst v63  }
0x33: {  	v3 =	vld [tilespmem:$0x10];
	_ =	sdelay $0x4  }
0x34: {  	v49 =	vshll.u32 v3, $0x1  }
0x35: {  	v3 =	vand.u32 $0x7, v3;
	v4 =	vand.u32 $0xFFFFFFF0, v49  }
0x36: {  	v3 =	vor.u32 v3, v4  }
0x37: {  	v4 =	vperm.xlane v3, v0;
	_ =	sdelay $0x1  }
0x38: {  	v3 =	vperm.xlane v3, v2;
	v4 =	vadd.s32 v1, v4;
	_ =	sdelay $0x1  }
0x39: {  	v3 =	vadd.s32 v1, v3;
	_ =	sdelay $0x1  }
0x3a: {  	s1 =	rddreg [dreg:$0x6]  }
0x3b: {  	[tilespmem:s1], [sflag:$0x1] =	stream.indirect_vreg.gather [hbm4b:s2+s4], $0x80, v4, vm0, $0xb8;
	[tilespmem:$0x18100] =	vst v63  }
0x3c: {  	s5 =	rddreg [dreg:$0x7]  }
0x3d: {  	[tilespmem:s5], [sflag:$0x1] =	stream.indirect_vreg.gather [hbm4b:s2+s4], $0x80, v3, vm0, $0xb8;
	[tilespmem:$0x18100] =	vst v63  }
0x3e: {  	v3 =	vld [tilespmem:$0x20];
	_ =	sdelay $0x4  }
0x3f: {  	v50 =	vshll.u32 v3, $0x1  }
0x40: {  	v3 =	vand.u32 $0x7, v3;
	v4 =	vand.u32 $0xFFFFFFF0, v50  }
0x41: {  	v3 =	vor.u32 v3, v4  }
0x42: {  	v4 =	vperm.xlane v3, v0;
	_ =	sdelay $0x1  }
0x43: {  	v3 =	vperm.xlane v3, v2;
	v4 =	vadd.s32 v1, v4;
	_ =	sdelay $0x1  }
0x44: {  	v3 =	vadd.s32 v1, v3;
	_ =	sdelay $0x1  }
0x45: {  	s1 =	rddreg [dreg:$0x8]  }
0x46: {  	[tilespmem:s1], [sflag:$0x1] =	stream.indirect_vreg.gather [hbm4b:s2+s4], $0x80, v4, vm0, $0xb8;
	[tilespmem:$0x18100] =	vst v63  }
0x47: {  	s5 =	rddreg [dreg:$0x9]  }
0x48: {  	[tilespmem:s5], [sflag:$0x1] =	stream.indirect_vreg.gather [hbm4b:s2+s4], $0x80, v3, vm0, $0xb8;
	[tilespmem:$0x18100] =	vst v63  }
0x49: {  	v3 =	vld [tilespmem:$0x30];
	_ =	sdelay $0x4  }
0x4a: {  	v51 =	vshll.u32 v3, $0x1  }
0x4b: {  	v3 =	vand.u32 $0x7, v3;
	v4 =	vand.u32 $0xFFFFFFF0, v51  }
0x4c: {  	v3 =	vor.u32 v3, v4  }
0x4d: {  	v4 =	vperm.xlane v3, v0;
	_ =	sdelay $0x1  }
0x4e: {  	v3 =	vperm.xlane v3, v2;
	v4 =	vadd.s32 v1, v4;
	_ =	sdelay $0x1  }
0x4f: {  	v3 =	vadd.s32 v1, v3;
	_ =	sdelay $0x1  }
0x50: {  	s1 =	rddreg [dreg:$0xa]  }
0x51: {  	[tilespmem:s1], [sflag:$0x1] =	stream.indirect_vreg.gather [hbm4b:s2+s4], $0x80, v4, vm0, $0xb8;
	[tilespmem:$0x18100] =	vst v63  }
0x52: {  	s5 =	rddreg [dreg:$0xb]  }
0x53: {  	[tilespmem:s5], [sflag:$0x1] =	stream.indirect_vreg.gather [hbm4b:s2+s4], $0x80, v3, vm0, $0xb8;
	[tilespmem:$0x18100] =	vst v63  }
0x54: {  	v3 =	vld [tilespmem:$0x40];
	_ =	sdelay $0x4  }
0x55: {  	v52 =	vshll.u32 v3, $0x1  }
0x56: {  	v3 =	vand.u32 $0x7, v3;
	v4 =	vand.u32 $0xFFFFFFF0, v52  }
0x57: {  	v3 =	vor.u32 v3, v4  }
0x58: {  	v4 =	vperm.xlane v3, v0;
	_ =	sdelay $0x1  }
0x59: {  	v3 =	vperm.xlane v3, v2;
	v4 =	vadd.s32 v1, v4;
	_ =	sdelay $0x1  }
0x5a: {  	v3 =	vadd.s32 v1, v3;
	_ =	sdelay $0x1  }
0x5b: {  	s1 =	rddreg [dreg:$0xc]  }
0x5c: {  	[tilespmem:s1], [sflag:$0x1] =	stream.indirect_vreg.gather [hbm4b:s2+s4], $0x80, v4, vm0, $0xb8;
	[tilespmem:$0x18100] =	vst v63  }
0x5d: {  	s5 =	rddreg [dreg:$0xd]  }
0x5e: {  	[tilespmem:s5], [sflag:$0x1] =	stream.indirect_vreg.gather [hbm4b:s2+s4], $0x80, v3, vm0, $0xb8;
	[tilespmem:$0x18100] =	vst v63  }
0x5f: {  	v3 =	vld [tilespmem:$0x50];
	_ =	sdelay $0x4  }
0x60: {  	v53 =	vshll.u32 v3, $0x1  }
0x61: {  	v3 =	vand.u32 $0x7, v3;
	v4 =	vand.u32 $0xFFFFFFF0, v53  }
0x62: {  	v3 =	vor.u32 v3, v4  }
0x63: {  	v4 =	vperm.xlane v3, v0;
	_ =	sdelay $0x1  }
0x64: {  	v3 =	vperm.xlane v3, v2;
	v4 =	vadd.s32 v1, v4;
	_ =	sdelay $0x1  }
0x65: {  	v3 =	vadd.s32 v1, v3;
	_ =	sdelay $0x1  }
0x66: {  	s1 =	rddreg [dreg:$0xe]  }
0x67: {  	[tilespmem:s1], [sflag:$0x1] =	stream.indirect_vreg.gather [hbm4b:s2+s4], $0x80, v4, vm0, $0xb8;
	[tilespmem:$0x18100] =	vst v63  }
0x68: {  	s5 =	rddreg [dreg:$0xf]  }
0x69: {  	[tilespmem:s5], [sflag:$0x1] =	stream.indirect_vreg.gather [hbm4b:s2+s4], $0x80, v3, vm0, $0xb8;
	[tilespmem:$0x18100] =	vst v63  }
0x6a: {  	v3 =	vld [tilespmem:$0x60];
	_ =	sdelay $0x4  }
0x6b: {  	v54 =	vshll.u32 v3, $0x1  }
0x6c: {  	v3 =	vand.u32 $0x7, v3;
	v4 =	vand.u32 $0xFFFFFFF0, v54  }
0x6d: {  	v3 =	vor.u32 v3, v4  }
0x6e: {  	v4 =	vperm.xlane v3, v0;
	_ =	sdelay $0x1  }
0x6f: {  	v3 =	vperm.xlane v3, v2;
	v4 =	vadd.s32 v1, v4;
	_ =	sdelay $0x1  }
0x70: {  	v3 =	vadd.s32 v1, v3;
	_ =	sdelay $0x1  }
0x71: {  	s1 =	rddreg [dreg:$0x10]  }
0x72: {  	[tilespmem:s1], [sflag:$0x1] =	stream.indirect_vreg.gather [hbm4b:s2+s4], $0x80, v4, vm0, $0xb8;
	[tilespmem:$0x18100] =	vst v63  }
0x73: {  	s5 =	rddreg [dreg:$0x11]  }
0x74: {  	[tilespmem:s5], [sflag:$0x1] =	stream.indirect_vreg.gather [hbm4b:s2+s4], $0x80, v3, vm0, $0xb8;
	[tilespmem:$0x18100] =	vst v63  }
0x75: {  	v3 =	vld [tilespmem:$0x70];
	_ =	sdelay $0x4  }
0x76: {  	v55 =	vshll.u32 v3, $0x1  }
0x77: {  	v3 =	vand.u32 $0x7, v3;
	v4 =	vand.u32 $0xFFFFFFF0, v55  }
0x78: {  	v3 =	vor.u32 v3, v4  }
0x79: {  	v4 =	vperm.xlane v3, v0;
	_ =	sdelay $0x1  }
0x7a: {  	v3 =	vperm.xlane v3, v2;
	v4 =	vadd.s32 v1, v4;
	_ =	sdelay $0x1  }
0x7b: {  	v3 =	vadd.s32 v1, v3;
	_ =	sdelay $0x1  }
0x7c: {  	s1 =	rddreg [dreg:$0x12]  }
0x7d: {  	[tilespmem:s1], [sflag:$0x1] =	stream.indirect_vreg.gather [hbm4b:s2+s4], $0x80, v4, vm0, $0xb8;
	[tilespmem:$0x18100] =	vst v63  }
0x7e: {  	s5 =	rddreg [dreg:$0x13]  }
0x7f: {  	[tilespmem:s5], [sflag:$0x1] =	stream.indirect_vreg.gather [hbm4b:s2+s4], $0x80, v3, vm0, $0xb8;
	[tilespmem:$0x18100] =	vst v63  }
0x80: {  	_ = 	snop  }
0x81: {  	[tilespmem:s12], [sflag:$0x2] =	stream.indirect.gather [hbm4b:s3+s11], $0x80, s4, s11, $0xb8;
	[tilespmem:$0x18100] =	vst v63  }
0x82: {  	_ = 	snop  }
0x83: {  	[tilespmem:s11], [sflag:$0x5] =	stream.linear.gather [hbm4b:s29+s4], $0x80, $0x38;
	[tilespmem:$0x18100] =	vst v63  }
0x84: {  	_ =	swait.ge [sflag:s9], $0x80  }
0x85: {  	[sflag:s9] =	ssyncset.done $0x0  }
0x86: {  	[sflag:s9] =	ssyncadd.s32 $0xFFFFFF80  }
0x87: {  	v3 =	vld [tilespmem:$0x80];
	_ =	sdelay $0x4  }
0x88: {  	v56 =	vshll.u32 v3, $0x1  }
0x89: {  	v3 =	vand.u32 $0x7, v3;
	v4 =	vand.u32 $0xFFFFFFF0, v56  }
0x8a: {  	v3 =	vor.u32 v3, v4  }
0x8b: {  	v4 =	vperm.xlane v3, v0;
	_ =	sdelay $0x1  }
0x8c: {  	v3 =	vperm.xlane v3, v2;
	v4 =	vadd.s32 v1, v4;
	_ =	sdelay $0x1  }
0x8d: {  	v3 =	vadd.s32 v1, v3;
	_ =	sdelay $0x2  }
0x8e: {  	[tilespmem:s13], [sflag:$0x3] =	stream.indirect_vreg.gather [hbm4b:s2+s4], $0x80, v4, vm0, $0xb8;
	[tilespmem:$0x18100] =	vst v63  }
0x8f: {  	s5 =	rddreg [dreg:$0x14]  }
0x90: {  	[tilespmem:s5], [sflag:$0x3] =	stream.indirect_vreg.gather [hbm4b:s2+s4], $0x80, v3, vm0, $0xb8;
	[tilespmem:$0x18100] =	vst v63  }
0x91: {  	v3 =	vld [tilespmem:$0x90];
	_ =	sdelay $0x4  }
0x92: {  	v57 =	vshll.u32 v3, $0x1  }
0x93: {  	v3 =	vand.u32 $0x7, v3;
	v4 =	vand.u32 $0xFFFFFFF0, v57  }
0x94: {  	v3 =	vor.u32 v3, v4  }
0x95: {  	v4 =	vperm.xlane v3, v0;
	_ =	sdelay $0x1  }
0x96: {  	v3 =	vperm.xlane v3, v2;
	v4 =	vadd.s32 v1, v4;
	_ =	sdelay $0x1  }
0x97: {  	v3 =	vadd.s32 v1, v3;
	_ =	sdelay $0x1  }
0x98: {  	s1 =	rddreg [dreg:$0x15]  }
0x99: {  	[tilespmem:s1], [sflag:$0x3] =	stream.indirect_vreg.gather [hbm4b:s2+s4], $0x80, v4, vm0, $0xb8;
	[tilespmem:$0x18100] =	vst v63  }
0x9a: {  	s5 =	rddreg [dreg:$0x16]  }
0x9b: {  	[tilespmem:s5], [sflag:$0x3] =	stream.indirect_vreg.gather [hbm4b:s2+s4], $0x80, v3, vm0, $0xb8;
	[tilespmem:$0x18100] =	vst v63  }
0x9c: {  	v3 =	vld [tilespmem:$0xA0];
	_ =	sdelay $0x4  }
0x9d: {  	v58 =	vshll.u32 v3, $0x1  }
0x9e: {  	v3 =	vand.u32 $0x7, v3;
	v4 =	vand.u32 $0xFFFFFFF0, v58  }
0x9f: {  	v3 =	vor.u32 v3, v4  }
0xa0: {  	v4 =	vperm.xlane v3, v0;
	_ =	sdelay $0x1  }
0xa1: {  	v3 =	vperm.xlane v3, v2;
	v4 =	vadd.s32 v1, v4;
	_ =	sdelay $0x1  }
0xa2: {  	v3 =	vadd.s32 v1, v3;
	_ =	sdelay $0x1  }
0xa3: {  	s1 =	rddreg [dreg:$0x17]  }
0xa4: {  	[tilespmem:s1], [sflag:$0x3] =	stream.indirect_vreg.gather [hbm4b:s2+s4], $0x80, v4, vm0, $0xb8;
	[tilespmem:$0x18100] =	vst v63  }
0xa5: {  	s5 =	rddreg [dreg:$0x18]  }
0xa6: {  	[tilespmem:s5], [sflag:$0x3] =	stream.indirect_vreg.gather [hbm4b:s2+s4], $0x80, v3, vm0, $0xb8;
	[tilespmem:$0x18100] =	vst v63  }
0xa7: {  	v3 =	vld [tilespmem:$0xB0];
	_ =	sdelay $0x4  }
0xa8: {  	v59 =	vshll.u32 v3, $0x1  }
0xa9: {  	v3 =	vand.u32 $0x7, v3;
	v4 =	vand.u32 $0xFFFFFFF0, v59  }
0xaa: {  	v3 =	vor.u32 v3, v4  }
0xab: {  	v4 =	vperm.xlane v3, v0;
	_ =	sdelay $0x1  }
0xac: {  	v3 =	vperm.xlane v3, v2;
	v4 =	vadd.s32 v1, v4;
	_ =	sdelay $0x1  }
0xad: {  	v3 =	vadd.s32 v1, v3;
	_ =	sdelay $0x1  }
0xae: {  	s1 =	rddreg [dreg:$0x19]  }
0xaf: {  	[tilespmem:s1], [sflag:$0x3] =	stream.indirect_vreg.gather [hbm4b:s2+s4], $0x80, v4, vm0, $0xb8;
	[tilespmem:$0x18100] =	vst v63  }
0xb0: {  	s5 =	rddreg [dreg:$0x1a]  }
0xb1: {  	[tilespmem:s5], [sflag:$0x3] =	stream.indirect_vreg.gather [hbm4b:s2+s4], $0x80, v3, vm0, $0xb8;
	[tilespmem:$0x18100] =	vst v63  }
0xb2: {  	v3 =	vld [tilespmem:$0xC0];
	_ =	sdelay $0x4  }
0xb3: {  	v60 =	vshll.u32 v3, $0x1  }
0xb4: {  	v3 =	vand.u32 $0x7, v3;
	v4 =	vand.u32 $0xFFFFFFF0, v60  }
0xb5: {  	v3 =	vor.u32 v3, v4  }
0xb6: {  	v4 =	vperm.xlane v3, v0;
	_ =	sdelay $0x1  }
0xb7: {  	v3 =	vperm.xlane v3, v2;
	v4 =	vadd.s32 v1, v4;
	_ =	sdelay $0x1  }
0xb8: {  	v3 =	vadd.s32 v1, v3;
	_ =	sdelay $0x2  }
0xb9: {  	[tilespmem:s14], [sflag:$0x3] =	stream.indirect_vreg.gather [hbm4b:s2+s4], $0x80, v4, vm0, $0xb8;
	[tilespmem:$0x18100] =	vst v63  }
0xba: {  	_ = 	snop  }
0xbb: {  	[tilespmem:s15], [sflag:$0x3] =	stream.indirect_vreg.gather [hbm4b:s2+s4], $0x80, v3, vm0, $0xb8;
	[tilespmem:$0x18100] =	vst v63  }
0xbc: {  	v3 =	vld [tilespmem:$0xD0];
	_ =	sdelay $0x4  }
0xbd: {  	v61 =	vshll.u32 v3, $0x1  }
0xbe: {  	v3 =	vand.u32 $0x7, v3;
	v4 =	vand.u32 $0xFFFFFFF0, v61  }
0xbf: {  	v3 =	vor.u32 v3, v4  }
0xc0: {  	v4 =	vperm.xlane v3, v0;
	_ =	sdelay $0x1  }
0xc1: {  	v3 =	vperm.xlane v3, v2;
	v4 =	vadd.s32 v1, v4;
	_ =	sdelay $0x1  }
0xc2: {  	v3 =	vadd.s32 v1, v3;
	_ =	sdelay $0x2  }
0xc3: {  	[tilespmem:s16], [sflag:$0x3] =	stream.indirect_vreg.gather [hbm4b:s2+s4], $0x80, v4, vm0, $0xb8;
	[tilespmem:$0x18100] =	vst v63  }
0xc4: {  	_ = 	snop  }
0xc5: {  	[tilespmem:s17], [sflag:$0x3] =	stream.indirect_vreg.gather [hbm4b:s2+s4], $0x80, v3, vm0, $0xb8;
	[tilespmem:$0x18100] =	vst v63  }
0xc6: {  	v3 =	vld [tilespmem:$0xE0];
	_ =	sdelay $0x4  }
0xc7: {  	v62 =	vshll.u32 v3, $0x1  }
0xc8: {  	v3 =	vand.u32 $0x7, v3;
	v4 =	vand.u32 $0xFFFFFFF0, v62  }
0xc9: {  	v3 =	vor.u32 v3, v4  }
0xca: {  	v4 =	vperm.xlane v3, v0;
	_ =	sdelay $0x1  }
0xcb: {  	v3 =	vperm.xlane v3, v2;
	v4 =	vadd.s32 v1, v4;
	_ =	sdelay $0x1  }
0xcc: {  	v3 =	vadd.s32 v1, v3;
	_ =	sdelay $0x2  }
0xcd: {  	[tilespmem:s18], [sflag:$0x3] =	stream.indirect_vreg.gather [hbm4b:s2+s4], $0x80, v4, vm0, $0xb8;
	[tilespmem:$0x18100] =	vst v63  }
0xce: {  	_ = 	snop  }
0xcf: {  	[tilespmem:s19], [sflag:$0x3] =	stream.indirect_vreg.gather [hbm4b:s2+s4], $0x80, v3, vm0, $0xb8;
	[tilespmem:$0x18100] =	vst v63  }
0xd0: {  	v3 =	vld [tilespmem:$0xF0];
	_ =	sdelay $0x4  }
0xd1: {  	v63 =	vshll.u32 v3, $0x1  }
0xd2: {  	v3 =	vand.u32 $0x7, v3;
	v4 =	vand.u32 $0xFFFFFFF0, v63  }
0xd3: {  	v3 =	vor.u32 v3, v4  }
0xd4: {  	v4 =	vperm.xlane v3, v0;
	_ =	sdelay $0x1  }
0xd5: {  	v3 =	vperm.xlane v3, v2;
	v4 =	vadd.s32 v1, v4;
	_ =	sdelay $0x1  }
0xd6: {  	v3 =	vadd.s32 v1, v3;
	_ =	sdelay $0x2  }
0xd7: {  	[tilespmem:s20], [sflag:$0x3] =	stream.indirect_vreg.gather [hbm4b:s2+s4], $0x80, v4, vm0, $0xb8;
	[tilespmem:$0x18100] =	vst v63  }
0xd8: {  	_ = 	snop  }
0xd9: {  	[tilespmem:s21], [sflag:$0x3] =	stream.indirect_vreg.gather [hbm4b:s2+s4], $0x80, v3, vm0, $0xb8;
	[tilespmem:$0x18100] =	vst v63  }
0xda: {  	_ = 	snop  }
0xdb: {  	[tilespmem:s22], [sflag:$0x4] =	stream.indirect.gather [hbm4b:s3+s11], $0x80, s11, s11, $0xb8;
	[tilespmem:$0x18100] =	vst v63  }
0xdc: {  	_ =	swait.ge [sflag:s23], $0x8000  }
0xdd: {  	[sflag:s23] =	ssyncset.done $0x0  }
0xde: {  	[sflag:s23] =	ssyncadd.s32 $0xFFFF8000  }
0xdf: {  	_ =	swait.ge [sflag:s24], $0x4000  }
0xe0: {  	[sflag:s24] =	ssyncset.done $0x0  }
0xe1: {  	[sflag:s24] =	ssyncadd.s32 $0xFFFFC000  }
0xe2: {  	[hbm4b:s31+s4] =	stream.linear.scatter [tilespmem:s10], [sflag:$0x5], $0x8000, $0x38;
	[tilespmem:$0x18100] =	vst v63  }
0xe3: {  	_ =	swait.ge [sflag:s9], $0x8000  }
0xe4: {  	s5 =	rddreg [dreg:$0x4];
	[sflag:s9] =	ssyncset.done $0x0  }
0xe5: {  	[sflag:s9] =	ssyncadd.s32 $0xFFFF8000;
	s1 =	sadd.s32 s0, s5  }
0xe6: {  	[hbm4b:s1+s4] =	stream.linear.scatter [tilespmem:s12], [sflag:$0x5], $0x4000, $0x38;
	[tilespmem:$0x18100] =	vst v63  }
0xe7: {  	_ =	swait.ge [sflag:s9], $0x4000  }
0xe8: {  	[sflag:s9] =	ssyncset.done $0x0  }
0xe9: {  	[sflag:s9] =	ssyncadd.s32 $0xFFFFC000  }
0xea: {  	_ =	swait.ge [sflag:s25], $0x8000  }
0xeb: {  	[sflag:s25] =	ssyncset.done $0x0  }
0xec: {  	[sflag:s25] =	ssyncadd.s32 $0xFFFF8000  }
0xed: {  	_ =	swait.ge [sflag:s26], $0x4000  }
0xee: {  	[sflag:s26] =	ssyncset.done $0x0  }
0xef: {  	s5 =	sadd.s32 $0x1000, s31;
	[sflag:s26] =	ssyncadd.s32 $0xFFFFC000  }
0xf0: {  	[hbm4b:s5+s4] =	stream.linear.scatter [tilespmem:s13], [sflag:$0x5], $0x8000, $0x38;
	[tilespmem:$0x18100] =	vst v63  }
0xf1: {  	_ =	swait.ge [sflag:s9], $0x8000  }
0xf2: {  	p0 =	sne.s32 s0, $0x7000;
	[sflag:s9] =	ssyncset.done $0x0  }
.Ltmp0:
0xf3: {  	s1 =	sadd.s32 $0x800, s1;
	[sflag:s9] =	ssyncadd.s32 $0xFFFF8000;
	(pc) =	sbr.rel @p0 .LBB2_2-.Ltmp0, $4  }
0xf4: {  	[hbm4b:s1+s4] =	stream.linear.scatter [tilespmem:s22], [sflag:$0x5], $0x4000, $0x38;
	[tilespmem:$0x18100] =	vst v63  }
0xf5: {  	_ =	swait.ge [sflag:s9], $0x4000  }
0xf6: {  	s30 =	sadd.s32 $0x20, s30;
	s29 =	sadd.s32 $0x20, s29;
	[sflag:s9] =	ssyncset.done $0x0  }
0xf7: {  	s31 =	sadd.s32 $0x2000, s31;
	s0 =	sadd.s32 $0x1000, s0;
	[sflag:s9] =	ssyncadd.s32 $0xFFFFC000  }
0xf8: {  	s28 =	sadd.s32 $0x1, s28;
	s0 =	rddreg [dreg:$0x1b]  }
0xf9: {  	p0 =	sne.s32 s28, s0  }
.Ltmp1:
0xfa: {  	_ = 	snop;
	(pc) =	sbr.rel @p0 .LBB2_1-.Ltmp1, $1  }
0xfb: {  	_ =	sdelay $0x3  }
0xfc: {  	_ =	sfence.sel $0x180000  }
0xfd: {  	[bflag:$0x0] =	sbarrier.arrive $0xFFFF  }
0xfe: {  	_ =	strace $0x90000047  }
0xff: {  	s0 =	stileid.u32;
	[bflag:$0x2] =	sbarrier.arrive $0xFFFF  }
0x100: {  	p0 =	sne.s32 s0, $0x0;
	s0 =	rddreg [dreg:$0x3]  }
0x101: {  	s0 =	sadd.s32 @!p0 $0x100000, s0  }
0x102: {  	[sflag:s0] =	ssyncadd.tile.s32 @!p0 $0x1;
	_ =	shalt  }
.Lfunc_end2:
_tile_overlayer_lowered:
.L_overlay_start_2:
0x103: {  	(tag) =	ssettag $0x2  }
0x104: {  	s0 =	rddreg [dreg:$0x0];
	s2 =	stileid.u32  }
0x105: {  	s1 =	rddreg [dreg:$0x1];
	p0 =	sne.s32 s2, $0x0  }
0x106: {  	s3 =	rddreg [dreg:$0x2];
	[bflag:$0x3] =	sbarrier.arrive $0xFFFF;
	s2 =	simm.s32 @!p0 $0x1C05  }
0x107: {  	[timem:s3], [sflag:s2] =	dma.local @!p0 [hbm:s0], s1  }
0x108: {  	s0 =	simm.s32 @!p0 $0x5  }
0x109: {  	_ =	swait.ge @!p0 [sflag:s0], s1  }
0x10a: {  	s1 =	ssub.s32 @!p0 $0x0, s1;
	[sflag:s0] =	ssyncset.done @!p0 $0x0  }
0x10b: {  	[sflag:s0] =	ssyncadd.s32 @!p0 s1  }
0x10c: {  	[bflag:$0x3] =	sbarrier.arrive $0xFFFF  }
0x10d: {  	_ =	shalt  }

</sc_bundles>
